<compile_context>
chip_gen: v7x
topology: tpu7x:2x2x1
jax: 0.10.2.dev20260603
libtpu: 0.0.44.dev20260713+nightly
codegen_flags: <defaults>
</compile_context>

<pallas_src>
import functools

import jax
import jax.numpy as jnp
from jax import lax
from jax.experimental import pallas as pl
from jax.experimental.pallas import tpu as pltpu
from jax.experimental.pallas import tpu_sc as plsc

B = 4096
L = 20
D = 1000
NW = 32
BW = B // NW
DC = 40
ND = D // DC
NBUF = 2
TPW = L * ND


def _sc_one_hot(xt_flat):
    mesh = plsc.VectorSubcoreMesh(core_axis_name="c", subcore_axis_name="s")

    @functools.partial(
        pl.kernel,
        mesh=mesh,
        compiler_params=pltpu.CompilerParams(needs_layout_passes=False),
        out_type=jax.ShapeDtypeStruct((L, D, B), jnp.float32),
        scratch_types=[
            pltpu.VMEM((L * BW,), jnp.int32),
            pltpu.VMEM((DC, BW), jnp.float32),
            pltpu.VMEM((DC, BW), jnp.float32),
            pltpu.SemaphoreType.DMA,
            pltpu.SemaphoreType.DMA,
        ],
    )
    def one_hot_kernel(xt_hbm, out_hbm, xv, buf0, buf1, sem0, sem1):
        wid = lax.axis_index("s") * 2 + lax.axis_index("c")
        b0 = wid * BW
        bufs = (buf0, buf1)
        sems = (sem0, sem1)

        lanes = lax.iota(jnp.int32, 16)
        ones_v = jnp.full((16,), 1.0, jnp.float32)
        zeros_v = jnp.zeros((16,), jnp.float32)

        def stage(l):
            return pltpu.make_async_copy(
                xt_hbm.at[pl.ds(l * B + b0, BW)], xv.at[pl.ds(l * BW, BW)], sem0
            )

        for l in range(L):
            stage(l).start()

        def zero_body(d, carry):
            for j in range(BW // 16):
                buf0[d, pl.ds(j * 16, 16)] = zeros_v
                buf1[d, pl.ds(j * 16, 16)] = zeros_v
            return carry

        lax.fori_loop(0, DC, zero_body, 0)
        for l in range(L):
            stage(l).wait()

        def scat(buf, t, val_v):
            l = t // ND
            d0 = (t % ND) * DC
            for j in range(BW // 16):
                d_idx = xv[pl.ds(l * BW + j * 16, 16)] - d0
                m = (d_idx >= 0) & (d_idx < DC)
                plsc.store_scatter(buf, [d_idx, lanes + j * 16], val_v, mask=m)

        def dma(b, t):
            l = t // ND
            d0 = (t % ND) * DC
            return pltpu.make_async_copy(
                bufs[b],
                out_hbm.at[l, pl.ds(d0, DC), pl.ds(b0, BW)],
                sems[b],
            )

        for b in range(NBUF):
            scat(bufs[b], b, ones_v)
            dma(b, b).start()

        def step(g0, carry):
            for b in range(NBUF):
                t = g0 * NBUF + b
                dma(b, t - NBUF).wait()
                scat(bufs[b], t - NBUF, zeros_v)
                scat(bufs[b], t, ones_v)
                dma(b, t).start()
            return carry

        lax.fori_loop(1, TPW // NBUF, step, 0)

        for b in range(NBUF):
            dma(b, TPW - NBUF + b).wait()

    return one_hot_kernel(xt_flat)


def kernel(X_in, ones):
    del ones
    xt = X_in.astype(jnp.int32).T.reshape(-1)
    y = _sc_one_hot(xt)
    return jnp.transpose(y, (2, 1, 0))

# --- scband reference (transcript-rebuilt; emitter-appended) ---
"""Pipeline reference for scband-one-hot-11458972746374 (READ-ONLY COPY).

The authoritative reference and input builder live on the scoring server;
editing this copy changes nothing except your own understanding.
"""

import jax, jax.numpy as jnp
import numpy as np

DEPTH = 1000

def setup_inputs(seed: int = 0) -> dict:
    key = jax.random.key(seed)
    X_in = jax.random.randint(key, (4096, 20), 0, DEPTH, dtype=jnp.int64)
    ones = jnp.eye(DEPTH, dtype=jnp.float32)
    return {"X_in": X_in, "ones": ones}

def reference(X_in, ones):
    # Faithful translation of One_Hot.forward
    n_dim = X_in.ndim  # 2
    depth = ones.shape[0]
    output_size = X_in.shape + (depth,)
    flat = X_in.reshape(-1).astype(jnp.int32)
    # index_select(0, X_in) on the identity matrix == gather rows (one-hot)
    out = jnp.take(ones, flat, axis=0).reshape(output_size)  # [B, L, D]
    # permute(0, -1, *range(1, n_dim)) -> (0, 2, 1) for n_dim=2
    perm = (0, n_dim) + tuple(range(1, n_dim))
    out = jnp.transpose(out, perm)  # [B, D, L]
    # squeeze(dim=2) only removes the axis if it has size 1 (L=20 here, so no-op)
    if out.shape[2] == 1:
        out = jnp.squeeze(out, axis=2)
    return out.astype(jnp.float32)

if __name__ == "__main__":
    import jax
    _d = setup_inputs()
    print(jax.jit(kernel)(*tuple(_d.values())))

</pallas_src>

<mosaic_0001>
#map = affine_map<(d0, d1) -> (0)>
#map1 = affine_map<(d0, d1) -> (0, 0, 0)>
module attributes {stable_mosaic.version = 14 : i64} {
  func.func @one_hot_kernel(%arg0: i32, %arg1: i32, %arg2: memref<81920xi32, #tpu.memory_space<hbm>>, %arg3: memref<20x1000x4096xf32, #tpu.memory_space<hbm>>, %arg4: memref<2560xi32, #tpu.memory_space<vmem>>, %arg5: memref<40x128xf32, #tpu.memory_space<vmem>>, %arg6: memref<40x128xf32, #tpu.memory_space<vmem>>, %arg7: memref<!tpu.dma_semaphore, #tpu.memory_space<semaphore_mem>>, %arg8: memref<!tpu.dma_semaphore, #tpu.memory_space<semaphore_mem>>) attributes {dimension_semantics = [#tpu.dimension_semantics<core_parallel>, #tpu.dimension_semantics<subcore_parallel>], iteration_bounds = array<i64: 2, 16>, scalar_prefetch = 0 : i64, scratch_operands = 5 : i64, tpu.core_type = #tpu.core_type<sc_vector_subcore>, window_params = [{transform_indices = #map}, {transform_indices = #map1}]} {
    %mul3A = arith.constant 2 : i32
    %mul3A_0 = arith.muli %arg1, %mul3A : i32
    %add3A = arith.addi %mul3A_0, %arg0 : i32
    %mul3A_1 = arith.constant 128 : i32
    %mul3A_2 = arith.muli %add3A, %mul3A_1 : i32
    %iota3A = tpu.iota {dimensions = array<i32: 0>} : vector<16xi32>
    %broadcast_in_dim3A = arith.constant 1.000000e+00 : f32
    %broadcast_in_dim3A_3 = vector.broadcast %broadcast_in_dim3A : f32 to vector<16xf32>
    %broadcast_in_dim3A_4 = arith.constant 0.000000e+00 : f32
    %broadcast_in_dim3A_5 = vector.broadcast %broadcast_in_dim3A_4 : f32 to vector<16xf32>
    %add3A_6 = arith.constant 0 : i32
    %add3A_7 = arith.addi %add3A_6, %mul3A_2 : i32
    %dma_start3A = arith.constant 0 : i32
    %dma_start3A_8 = tpu.memref_slice %arg4[%dma_start3A] : memref<2560xi32, #tpu.memory_space<vmem>> -> memref<128xi32, #tpu.memory_space<vmem>>
    %dma_start3A_9 = tpu.memref_slice %arg2[%add3A_7] : memref<81920xi32, #tpu.memory_space<hbm>> -> memref<128xi32, #tpu.memory_space<hbm>>
    %dma_start3A_10 = arith.constant 0 : i32
    %dma_start3A_11 = tpu.memref_slice %arg4[%dma_start3A_10] : memref<2560xi32, #tpu.memory_space<vmem>> -> memref<128xi32, #tpu.memory_space<vmem>>
    %dma_start3A_12 = tpu.memref_slice %arg2[%add3A_7] : memref<81920xi32, #tpu.memory_space<hbm>> -> memref<128xi32, #tpu.memory_space<hbm>>
    tpu.enqueue_dma source(%dma_start3A_12 : memref<128xi32, #tpu.memory_space<hbm>>) target(%dma_start3A_11 : memref<128xi32, #tpu.memory_space<vmem>>) target_semaphore(%arg7 : memref<!tpu.dma_semaphore, #tpu.memory_space<semaphore_mem>>)
    %add3A_13 = arith.constant 4096 : i32
    %add3A_14 = arith.addi %add3A_13, %mul3A_2 : i32
    %dma_start3A_15 = arith.constant 128 : i32
    %dma_start3A_16 = tpu.memref_slice %arg4[%dma_start3A_15] : memref<2560xi32, #tpu.memory_space<vmem>> -> memref<128xi32, #tpu.memory_space<vmem>>
    %dma_start3A_17 = tpu.memref_slice %arg2[%add3A_14] : memref<81920xi32, #tpu.memory_space<hbm>> -> memref<128xi32, #tpu.memory_space<hbm>>
    %dma_start3A_18 = arith.constant 128 : i32
    %dma_start3A_19 = tpu.memref_slice %arg4[%dma_start3A_18] : memref<2560xi32, #tpu.memory_space<vmem>> -> memref<128xi32, #tpu.memory_space<vmem>>
    %dma_start3A_20 = tpu.memref_slice %arg2[%add3A_14] : memref<81920xi32, #tpu.memory_space<hbm>> -> memref<128xi32, #tpu.memory_space<hbm>>
    tpu.enqueue_dma source(%dma_start3A_20 : memref<128xi32, #tpu.memory_space<hbm>>) target(%dma_start3A_19 : memref<128xi32, #tpu.memory_space<vmem>>) target_semaphore(%arg7 : memref<!tpu.dma_semaphore, #tpu.memory_space<semaphore_mem>>)
    %add3A_21 = arith.constant 8192 : i32
    %add3A_22 = arith.addi %add3A_21, %mul3A_2 : i32
    %dma_start3A_23 = arith.constant 256 : i32
    %dma_start3A_24 = tpu.memref_slice %arg4[%dma_start3A_23] : memref<2560xi32, #tpu.memory_space<vmem>> -> memref<128xi32, #tpu.memory_space<vmem>>
    %dma_start3A_25 = tpu.memref_slice %arg2[%add3A_22] : memref<81920xi32, #tpu.memory_space<hbm>> -> memref<128xi32, #tpu.memory_space<hbm>>
    %dma_start3A_26 = arith.constant 256 : i32
    %dma_start3A_27 = tpu.memref_slice %arg4[%dma_start3A_26] : memref<2560xi32, #tpu.memory_space<vmem>> -> memref<128xi32, #tpu.memory_space<vmem>>
    %dma_start3A_28 = tpu.memref_slice %arg2[%add3A_22] : memref<81920xi32, #tpu.memory_space<hbm>> -> memref<128xi32, #tpu.memory_space<hbm>>
    tpu.enqueue_dma source(%dma_start3A_28 : memref<128xi32, #tpu.memory_space<hbm>>) target(%dma_start3A_27 : memref<128xi32, #tpu.memory_space<vmem>>) target_semaphore(%arg7 : memref<!tpu.dma_semaphore, #tpu.memory_space<semaphore_mem>>)
    %add3A_29 = arith.constant 12288 : i32
    %add3A_30 = arith.addi %add3A_29, %mul3A_2 : i32
    %dma_start3A_31 = arith.constant 384 : i32
    %dma_start3A_32 = tpu.memref_slice %arg4[%dma_start3A_31] : memref<2560xi32, #tpu.memory_space<vmem>> -> memref<128xi32, #tpu.memory_space<vmem>>
    %dma_start3A_33 = tpu.memref_slice %arg2[%add3A_30] : memref<81920xi32, #tpu.memory_space<hbm>> -> memref<128xi32, #tpu.memory_space<hbm>>
    %dma_start3A_34 = arith.constant 384 : i32
    %dma_start3A_35 = tpu.memref_slice %arg4[%dma_start3A_34] : memref<2560xi32, #tpu.memory_space<vmem>> -> memref<128xi32, #tpu.memory_space<vmem>>
    %dma_start3A_36 = tpu.memref_slice %arg2[%add3A_30] : memref<81920xi32, #tpu.memory_space<hbm>> -> memref<128xi32, #tpu.memory_space<hbm>>
    tpu.enqueue_dma source(%dma_start3A_36 : memref<128xi32, #tpu.memory_space<hbm>>) target(%dma_start3A_35 : memref<128xi32, #tpu.memory_space<vmem>>) target_semaphore(%arg7 : memref<!tpu.dma_semaphore, #tpu.memory_space<semaphore_mem>>)
    %add3A_37 = arith.constant 16384 : i32
    %add3A_38 = arith.addi %add3A_37, %mul3A_2 : i32
    %dma_start3A_39 = arith.constant 512 : i32
    %dma_start3A_40 = tpu.memref_slice %arg4[%dma_start3A_39] : memref<2560xi32, #tpu.memory_space<vmem>> -> memref<128xi32, #tpu.memory_space<vmem>>
    %dma_start3A_41 = tpu.memref_slice %arg2[%add3A_38] : memref<81920xi32, #tpu.memory_space<hbm>> -> memref<128xi32, #tpu.memory_space<hbm>>
    %dma_start3A_42 = arith.constant 512 : i32
    %dma_start3A_43 = tpu.memref_slice %arg4[%dma_start3A_42] : memref<2560xi32, #tpu.memory_space<vmem>> -> memref<128xi32, #tpu.memory_space<vmem>>
    %dma_start3A_44 = tpu.memref_slice %arg2[%add3A_38] : memref<81920xi32, #tpu.memory_space<hbm>> -> memref<128xi32, #tpu.memory_space<hbm>>
    tpu.enqueue_dma source(%dma_start3A_44 : memref<128xi32, #tpu.memory_space<hbm>>) target(%dma_start3A_43 : memref<128xi32, #tpu.memory_space<vmem>>) target_semaphore(%arg7 : memref<!tpu.dma_semaphore, #tpu.memory_space<semaphore_mem>>)
    %add3A_45 = arith.constant 20480 : i32
    %add3A_46 = arith.addi %add3A_45, %mul3A_2 : i32
    %dma_start3A_47 = arith.constant 640 : i32
    %dma_start3A_48 = tpu.memref_slice %arg4[%dma_start3A_47] : memref<2560xi32, #tpu.memory_space<vmem>> -> memref<128xi32, #tpu.memory_space<vmem>>
    %dma_start3A_49 = tpu.memref_slice %arg2[%add3A_46] : memref<81920xi32, #tpu.memory_space<hbm>> -> memref<128xi32, #tpu.memory_space<hbm>>
    %dma_start3A_50 = arith.constant 640 : i32
    %dma_start3A_51 = tpu.memref_slice %arg4[%dma_start3A_50] : memref<2560xi32, #tpu.memory_space<vmem>> -> memref<128xi32, #tpu.memory_space<vmem>>
    %dma_start3A_52 = tpu.memref_slice %arg2[%add3A_46] : memref<81920xi32, #tpu.memory_space<hbm>> -> memref<128xi32, #tpu.memory_space<hbm>>
    tpu.enqueue_dma source(%dma_start3A_52 : memref<128xi32, #tpu.memory_space<hbm>>) target(%dma_start3A_51 : memref<128xi32, #tpu.memory_space<vmem>>) target_semaphore(%arg7 : memref<!tpu.dma_semaphore, #tpu.memory_space<semaphore_mem>>)
    %add3A_53 = arith.constant 24576 : i32
    %add3A_54 = arith.addi %add3A_53, %mul3A_2 : i32
    %dma_start3A_55 = arith.constant 768 : i32
    %dma_start3A_56 = tpu.memref_slice %arg4[%dma_start3A_55] : memref<2560xi32, #tpu.memory_space<vmem>> -> memref<128xi32, #tpu.memory_space<vmem>>
    %dma_start3A_57 = tpu.memref_slice %arg2[%add3A_54] : memref<81920xi32, #tpu.memory_space<hbm>> -> memref<128xi32, #tpu.memory_space<hbm>>
    %dma_start3A_58 = arith.constant 768 : i32
    %dma_start3A_59 = tpu.memref_slice %arg4[%dma_start3A_58] : memref<2560xi32, #tpu.memory_space<vmem>> -> memref<128xi32, #tpu.memory_space<vmem>>
    %dma_start3A_60 = tpu.memref_slice %arg2[%add3A_54] : memref<81920xi32, #tpu.memory_space<hbm>> -> memref<128xi32, #tpu.memory_space<hbm>>
    tpu.enqueue_dma source(%dma_start3A_60 : memref<128xi32, #tpu.memory_space<hbm>>) target(%dma_start3A_59 : memref<128xi32, #tpu.memory_space<vmem>>) target_semaphore(%arg7 : memref<!tpu.dma_semaphore, #tpu.memory_space<semaphore_mem>>)
    %add3A_61 = arith.constant 28672 : i32
    %add3A_62 = arith.addi %add3A_61, %mul3A_2 : i32
    %dma_start3A_63 = arith.constant 896 : i32
    %dma_start3A_64 = tpu.memref_slice %arg4[%dma_start3A_63] : memref<2560xi32, #tpu.memory_space<vmem>> -> memref<128xi32, #tpu.memory_space<vmem>>
    %dma_start3A_65 = tpu.memref_slice %arg2[%add3A_62] : memref<81920xi32, #tpu.memory_space<hbm>> -> memref<128xi32, #tpu.memory_space<hbm>>
    %dma_start3A_66 = arith.constant 896 : i32
    %dma_start3A_67 = tpu.memref_slice %arg4[%dma_start3A_66] : memref<2560xi32, #tpu.memory_space<vmem>> -> memref<128xi32, #tpu.memory_space<vmem>>
    %dma_start3A_68 = tpu.memref_slice %arg2[%add3A_62] : memref<81920xi32, #tpu.memory_space<hbm>> -> memref<128xi32, #tpu.memory_space<hbm>>
    tpu.enqueue_dma source(%dma_start3A_68 : memref<128xi32, #tpu.memory_space<hbm>>) target(%dma_start3A_67 : memref<128xi32, #tpu.memory_space<vmem>>) target_semaphore(%arg7 : memref<!tpu.dma_semaphore, #tpu.memory_space<semaphore_mem>>)
    %add3A_69 = arith.constant 32768 : i32
    %add3A_70 = arith.addi %add3A_69, %mul3A_2 : i32
    %dma_start3A_71 = arith.constant 1024 : i32
    %dma_start3A_72 = tpu.memref_slice %arg4[%dma_start3A_71] : memref<2560xi32, #tpu.memory_space<vmem>> -> memref<128xi32, #tpu.memory_space<vmem>>
    %dma_start3A_73 = tpu.memref_slice %arg2[%add3A_70] : memref<81920xi32, #tpu.memory_space<hbm>> -> memref<128xi32, #tpu.memory_space<hbm>>
    %dma_start3A_74 = arith.constant 1024 : i32
    %dma_start3A_75 = tpu.memref_slice %arg4[%dma_start3A_74] : memref<2560xi32, #tpu.memory_space<vmem>> -> memref<128xi32, #tpu.memory_space<vmem>>
    %dma_start3A_76 = tpu.memref_slice %arg2[%add3A_70] : memref<81920xi32, #tpu.memory_space<hbm>> -> memref<128xi32, #tpu.memory_space<hbm>>
    tpu.enqueue_dma source(%dma_start3A_76 : memref<128xi32, #tpu.memory_space<hbm>>) target(%dma_start3A_75 : memref<128xi32, #tpu.memory_space<vmem>>) target_semaphore(%arg7 : memref<!tpu.dma_semaphore, #tpu.memory_space<semaphore_mem>>)
    %add3A_77 = arith.constant 36864 : i32
    %add3A_78 = arith.addi %add3A_77, %mul3A_2 : i32
    %dma_start3A_79 = arith.constant 1152 : i32
    %dma_start3A_80 = tpu.memref_slice %arg4[%dma_start3A_79] : memref<2560xi32, #tpu.memory_space<vmem>> -> memref<128xi32, #tpu.memory_space<vmem>>
    %dma_start3A_81 = tpu.memref_slice %arg2[%add3A_78] : memref<81920xi32, #tpu.memory_space<hbm>> -> memref<128xi32, #tpu.memory_space<hbm>>
    %dma_start3A_82 = arith.constant 1152 : i32
    %dma_start3A_83 = tpu.memref_slice %arg4[%dma_start3A_82] : memref<2560xi32, #tpu.memory_space<vmem>> -> memref<128xi32, #tpu.memory_space<vmem>>
    %dma_start3A_84 = tpu.memref_slice %arg2[%add3A_78] : memref<81920xi32, #tpu.memory_space<hbm>> -> memref<128xi32, #tpu.memory_space<hbm>>
    tpu.enqueue_dma source(%dma_start3A_84 : memref<128xi32, #tpu.memory_space<hbm>>) target(%dma_start3A_83 : memref<128xi32, #tpu.memory_space<vmem>>) target_semaphore(%arg7 : memref<!tpu.dma_semaphore, #tpu.memory_space<semaphore_mem>>)
    %add3A_85 = arith.constant 40960 : i32
    %add3A_86 = arith.addi %add3A_85, %mul3A_2 : i32
    %dma_start3A_87 = arith.constant 1280 : i32
    %dma_start3A_88 = tpu.memref_slice %arg4[%dma_start3A_87] : memref<2560xi32, #tpu.memory_space<vmem>> -> memref<128xi32, #tpu.memory_space<vmem>>
    %dma_start3A_89 = tpu.memref_slice %arg2[%add3A_86] : memref<81920xi32, #tpu.memory_space<hbm>> -> memref<128xi32, #tpu.memory_space<hbm>>
    %dma_start3A_90 = arith.constant 1280 : i32
    %dma_start3A_91 = tpu.memref_slice %arg4[%dma_start3A_90] : memref<2560xi32, #tpu.memory_space<vmem>> -> memref<128xi32, #tpu.memory_space<vmem>>
    %dma_start3A_92 = tpu.memref_slice %arg2[%add3A_86] : memref<81920xi32, #tpu.memory_space<hbm>> -> memref<128xi32, #tpu.memory_space<hbm>>
    tpu.enqueue_dma source(%dma_start3A_92 : memref<128xi32, #tpu.memory_space<hbm>>) target(%dma_start3A_91 : memref<128xi32, #tpu.memory_space<vmem>>) target_semaphore(%arg7 : memref<!tpu.dma_semaphore, #tpu.memory_space<semaphore_mem>>)
    %add3A_93 = arith.constant 45056 : i32
    %add3A_94 = arith.addi %add3A_93, %mul3A_2 : i32
    %dma_start3A_95 = arith.constant 1408 : i32
    %dma_start3A_96 = tpu.memref_slice %arg4[%dma_start3A_95] : memref<2560xi32, #tpu.memory_space<vmem>> -> memref<128xi32, #tpu.memory_space<vmem>>
    %dma_start3A_97 = tpu.memref_slice %arg2[%add3A_94] : memref<81920xi32, #tpu.memory_space<hbm>> -> memref<128xi32, #tpu.memory_space<hbm>>
    %dma_start3A_98 = arith.constant 1408 : i32
    %dma_start3A_99 = tpu.memref_slice %arg4[%dma_start3A_98] : memref<2560xi32, #tpu.memory_space<vmem>> -> memref<128xi32, #tpu.memory_space<vmem>>
    %dma_start3A_100 = tpu.memref_slice %arg2[%add3A_94] : memref<81920xi32, #tpu.memory_space<hbm>> -> memref<128xi32, #tpu.memory_space<hbm>>
    tpu.enqueue_dma source(%dma_start3A_100 : memref<128xi32, #tpu.memory_space<hbm>>) target(%dma_start3A_99 : memref<128xi32, #tpu.memory_space<vmem>>) target_semaphore(%arg7 : memref<!tpu.dma_semaphore, #tpu.memory_space<semaphore_mem>>)
    %add3A_101 = arith.constant 49152 : i32
    %add3A_102 = arith.addi %add3A_101, %mul3A_2 : i32
    %dma_start3A_103 = arith.constant 1536 : i32
    %dma_start3A_104 = tpu.memref_slice %arg4[%dma_start3A_103] : memref<2560xi32, #tpu.memory_space<vmem>> -> memref<128xi32, #tpu.memory_space<vmem>>
    %dma_start3A_105 = tpu.memref_slice %arg2[%add3A_102] : memref<81920xi32, #tpu.memory_space<hbm>> -> memref<128xi32, #tpu.memory_space<hbm>>
    %dma_start3A_106 = arith.constant 1536 : i32
    %dma_start3A_107 = tpu.memref_slice %arg4[%dma_start3A_106] : memref<2560xi32, #tpu.memory_space<vmem>> -> memref<128xi32, #tpu.memory_space<vmem>>
    %dma_start3A_108 = tpu.memref_slice %arg2[%add3A_102] : memref<81920xi32, #tpu.memory_space<hbm>> -> memref<128xi32, #tpu.memory_space<hbm>>
    tpu.enqueue_dma source(%dma_start3A_108 : memref<128xi32, #tpu.memory_space<hbm>>) target(%dma_start3A_107 : memref<128xi32, #tpu.memory_space<vmem>>) target_semaphore(%arg7 : memref<!tpu.dma_semaphore, #tpu.memory_space<semaphore_mem>>)
    %add3A_109 = arith.constant 53248 : i32
    %add3A_110 = arith.addi %add3A_109, %mul3A_2 : i32
    %dma_start3A_111 = arith.constant 1664 : i32
    %dma_start3A_112 = tpu.memref_slice %arg4[%dma_start3A_111] : memref<2560xi32, #tpu.memory_space<vmem>> -> memref<128xi32, #tpu.memory_space<vmem>>
    %dma_start3A_113 = tpu.memref_slice %arg2[%add3A_110] : memref<81920xi32, #tpu.memory_space<hbm>> -> memref<128xi32, #tpu.memory_space<hbm>>
    %dma_start3A_114 = arith.constant 1664 : i32
    %dma_start3A_115 = tpu.memref_slice %arg4[%dma_start3A_114] : memref<2560xi32, #tpu.memory_space<vmem>> -> memref<128xi32, #tpu.memory_space<vmem>>
    %dma_start3A_116 = tpu.memref_slice %arg2[%add3A_110] : memref<81920xi32, #tpu.memory_space<hbm>> -> memref<128xi32, #tpu.memory_space<hbm>>
    tpu.enqueue_dma source(%dma_start3A_116 : memref<128xi32, #tpu.memory_space<hbm>>) target(%dma_start3A_115 : memref<128xi32, #tpu.memory_space<vmem>>) target_semaphore(%arg7 : memref<!tpu.dma_semaphore, #tpu.memory_space<semaphore_mem>>)
    %add3A_117 = arith.constant 57344 : i32
    %add3A_118 = arith.addi %add3A_117, %mul3A_2 : i32
    %dma_start3A_119 = arith.constant 1792 : i32
    %dma_start3A_120 = tpu.memref_slice %arg4[%dma_start3A_119] : memref<2560xi32, #tpu.memory_space<vmem>> -> memref<128xi32, #tpu.memory_space<vmem>>
    %dma_start3A_121 = tpu.memref_slice %arg2[%add3A_118] : memref<81920xi32, #tpu.memory_space<hbm>> -> memref<128xi32, #tpu.memory_space<hbm>>
    %dma_start3A_122 = arith.constant 1792 : i32
    %dma_start3A_123 = tpu.memref_slice %arg4[%dma_start3A_122] : memref<2560xi32, #tpu.memory_space<vmem>> -> memref<128xi32, #tpu.memory_space<vmem>>
    %dma_start3A_124 = tpu.memref_slice %arg2[%add3A_118] : memref<81920xi32, #tpu.memory_space<hbm>> -> memref<128xi32, #tpu.memory_space<hbm>>
    tpu.enqueue_dma source(%dma_start3A_124 : memref<128xi32, #tpu.memory_space<hbm>>) target(%dma_start3A_123 : memref<128xi32, #tpu.memory_space<vmem>>) target_semaphore(%arg7 : memref<!tpu.dma_semaphore, #tpu.memory_space<semaphore_mem>>)
    %add3A_125 = arith.constant 61440 : i32
    %add3A_126 = arith.addi %add3A_125, %mul3A_2 : i32
    %dma_start3A_127 = arith.constant 1920 : i32
    %dma_start3A_128 = tpu.memref_slice %arg4[%dma_start3A_127] : memref<2560xi32, #tpu.memory_space<vmem>> -> memref<128xi32, #tpu.memory_space<vmem>>
    %dma_start3A_129 = tpu.memref_slice %arg2[%add3A_126] : memref<81920xi32, #tpu.memory_space<hbm>> -> memref<128xi32, #tpu.memory_space<hbm>>
    %dma_start3A_130 = arith.constant 1920 : i32
    %dma_start3A_131 = tpu.memref_slice %arg4[%dma_start3A_130] : memref<2560xi32, #tpu.memory_space<vmem>> -> memref<128xi32, #tpu.memory_space<vmem>>
    %dma_start3A_132 = tpu.memref_slice %arg2[%add3A_126] : memref<81920xi32, #tpu.memory_space<hbm>> -> memref<128xi32, #tpu.memory_space<hbm>>
    tpu.enqueue_dma source(%dma_start3A_132 : memref<128xi32, #tpu.memory_space<hbm>>) target(%dma_start3A_131 : memref<128xi32, #tpu.memory_space<vmem>>) target_semaphore(%arg7 : memref<!tpu.dma_semaphore, #tpu.memory_space<semaphore_mem>>)
    %add3A_133 = arith.constant 65536 : i32
    %add3A_134 = arith.addi %add3A_133, %mul3A_2 : i32
    %dma_start3A_135 = arith.constant 2048 : i32
    %dma_start3A_136 = tpu.memref_slice %arg4[%dma_start3A_135] : memref<2560xi32, #tpu.memory_space<vmem>> -> memref<128xi32, #tpu.memory_space<vmem>>
    %dma_start3A_137 = tpu.memref_slice %arg2[%add3A_134] : memref<81920xi32, #tpu.memory_space<hbm>> -> memref<128xi32, #tpu.memory_space<hbm>>
    %dma_start3A_138 = arith.constant 2048 : i32
    %dma_start3A_139 = tpu.memref_slice %arg4[%dma_start3A_138] : memref<2560xi32, #tpu.memory_space<vmem>> -> memref<128xi32, #tpu.memory_space<vmem>>
    %dma_start3A_140 = tpu.memref_slice %arg2[%add3A_134] : memref<81920xi32, #tpu.memory_space<hbm>> -> memref<128xi32, #tpu.memory_space<hbm>>
    tpu.enqueue_dma source(%dma_start3A_140 : memref<128xi32, #tpu.memory_space<hbm>>) target(%dma_start3A_139 : memref<128xi32, #tpu.memory_space<vmem>>) target_semaphore(%arg7 : memref<!tpu.dma_semaphore, #tpu.memory_space<semaphore_mem>>)
    %add3A_141 = arith.constant 69632 : i32
    %add3A_142 = arith.addi %add3A_141, %mul3A_2 : i32
    %dma_start3A_143 = arith.constant 2176 : i32
    %dma_start3A_144 = tpu.memref_slice %arg4[%dma_start3A_143] : memref<2560xi32, #tpu.memory_space<vmem>> -> memref<128xi32, #tpu.memory_space<vmem>>
    %dma_start3A_145 = tpu.memref_slice %arg2[%add3A_142] : memref<81920xi32, #tpu.memory_space<hbm>> -> memref<128xi32, #tpu.memory_space<hbm>>
    %dma_start3A_146 = arith.constant 2176 : i32
    %dma_start3A_147 = tpu.memref_slice %arg4[%dma_start3A_146] : memref<2560xi32, #tpu.memory_space<vmem>> -> memref<128xi32, #tpu.memory_space<vmem>>
    %dma_start3A_148 = tpu.memref_slice %arg2[%add3A_142] : memref<81920xi32, #tpu.memory_space<hbm>> -> memref<128xi32, #tpu.memory_space<hbm>>
    tpu.enqueue_dma source(%dma_start3A_148 : memref<128xi32, #tpu.memory_space<hbm>>) target(%dma_start3A_147 : memref<128xi32, #tpu.memory_space<vmem>>) target_semaphore(%arg7 : memref<!tpu.dma_semaphore, #tpu.memory_space<semaphore_mem>>)
    %add3A_149 = arith.constant 73728 : i32
    %add3A_150 = arith.addi %add3A_149, %mul3A_2 : i32
    %dma_start3A_151 = arith.constant 2304 : i32
    %dma_start3A_152 = tpu.memref_slice %arg4[%dma_start3A_151] : memref<2560xi32, #tpu.memory_space<vmem>> -> memref<128xi32, #tpu.memory_space<vmem>>
    %dma_start3A_153 = tpu.memref_slice %arg2[%add3A_150] : memref<81920xi32, #tpu.memory_space<hbm>> -> memref<128xi32, #tpu.memory_space<hbm>>
    %dma_start3A_154 = arith.constant 2304 : i32
    %dma_start3A_155 = tpu.memref_slice %arg4[%dma_start3A_154] : memref<2560xi32, #tpu.memory_space<vmem>> -> memref<128xi32, #tpu.memory_space<vmem>>
    %dma_start3A_156 = tpu.memref_slice %arg2[%add3A_150] : memref<81920xi32, #tpu.memory_space<hbm>> -> memref<128xi32, #tpu.memory_space<hbm>>
    tpu.enqueue_dma source(%dma_start3A_156 : memref<128xi32, #tpu.memory_space<hbm>>) target(%dma_start3A_155 : memref<128xi32, #tpu.memory_space<vmem>>) target_semaphore(%arg7 : memref<!tpu.dma_semaphore, #tpu.memory_space<semaphore_mem>>)
    %add3A_157 = arith.constant 77824 : i32
    %add3A_158 = arith.addi %add3A_157, %mul3A_2 : i32
    %dma_start3A_159 = arith.constant 2432 : i32
    %dma_start3A_160 = tpu.memref_slice %arg4[%dma_start3A_159] : memref<2560xi32, #tpu.memory_space<vmem>> -> memref<128xi32, #tpu.memory_space<vmem>>
    %dma_start3A_161 = tpu.memref_slice %arg2[%add3A_158] : memref<81920xi32, #tpu.memory_space<hbm>> -> memref<128xi32, #tpu.memory_space<hbm>>
    %dma_start3A_162 = arith.constant 2432 : i32
    %dma_start3A_163 = tpu.memref_slice %arg4[%dma_start3A_162] : memref<2560xi32, #tpu.memory_space<vmem>> -> memref<128xi32, #tpu.memory_space<vmem>>
    %dma_start3A_164 = tpu.memref_slice %arg2[%add3A_158] : memref<81920xi32, #tpu.memory_space<hbm>> -> memref<128xi32, #tpu.memory_space<hbm>>
    tpu.enqueue_dma source(%dma_start3A_164 : memref<128xi32, #tpu.memory_space<hbm>>) target(%dma_start3A_163 : memref<128xi32, #tpu.memory_space<vmem>>) target_semaphore(%arg7 : memref<!tpu.dma_semaphore, #tpu.memory_space<semaphore_mem>>)
    %scan3A = arith.constant 0 : i32
    %scan3A_165 = arith.constant 0 : i32
    %scan3A_166 = arith.constant 40 : i32
    %scan3A_167 = arith.addi %scan3A_165, %scan3A_166 : i32
    %scan3A_168 = arith.constant 1 : i32
    scf.for %scan3A_598 = %scan3A_165 to %scan3A_167 step %scan3A_168  : i32 {
      %swap3A = arith.index_cast %scan3A_598 : i32 to index
      %swap3A_599 = arith.constant 0 : index
      %swap3A_600 = tpu.vector_load %arg5[%swap3A, %swap3A_599] {strides = array<i32>} : memref<40x128xf32, #tpu.memory_space<vmem>>, vector<16xf32>,
      tpu.vector_store %arg5[%swap3A, %swap3A_599], %broadcast_in_dim3A_5 {strides = array<i32>} : memref<40x128xf32, #tpu.memory_space<vmem>>, vector<16xf32>,
      %swap3A_601 = arith.index_cast %scan3A_598 : i32 to index
      %swap3A_602 = arith.constant 0 : index
      %swap3A_603 = tpu.vector_load %arg6[%swap3A_601, %swap3A_602] {strides = array<i32>} : memref<40x128xf32, #tpu.memory_space<vmem>>, vector<16xf32>,
      tpu.vector_store %arg6[%swap3A_601, %swap3A_602], %broadcast_in_dim3A_5 {strides = array<i32>} : memref<40x128xf32, #tpu.memory_space<vmem>>, vector<16xf32>,
      %swap3A_604 = arith.index_cast %scan3A_598 : i32 to index
      %swap3A_605 = arith.constant 16 : index
      %swap3A_606 = tpu.vector_load %arg5[%swap3A_604, %swap3A_605] {strides = array<i32>} : memref<40x128xf32, #tpu.memory_space<vmem>>, vector<16xf32>,
      tpu.vector_store %arg5[%swap3A_604, %swap3A_605], %broadcast_in_dim3A_5 {strides = array<i32>} : memref<40x128xf32, #tpu.memory_space<vmem>>, vector<16xf32>,
      %swap3A_607 = arith.index_cast %scan3A_598 : i32 to index
      %swap3A_608 = arith.constant 16 : index
      %swap3A_609 = tpu.vector_load %arg6[%swap3A_607, %swap3A_608] {strides = array<i32>} : memref<40x128xf32, #tpu.memory_space<vmem>>, vector<16xf32>,
      tpu.vector_store %arg6[%swap3A_607, %swap3A_608], %broadcast_in_dim3A_5 {strides = array<i32>} : memref<40x128xf32, #tpu.memory_space<vmem>>, vector<16xf32>,
      %swap3A_610 = arith.index_cast %scan3A_598 : i32 to index
      %swap3A_611 = arith.constant 32 : index
      %swap3A_612 = tpu.vector_load %arg5[%swap3A_610, %swap3A_611] {strides = array<i32>} : memref<40x128xf32, #tpu.memory_space<vmem>>, vector<16xf32>,
      tpu.vector_store %arg5[%swap3A_610, %swap3A_611], %broadcast_in_dim3A_5 {strides = array<i32>} : memref<40x128xf32, #tpu.memory_space<vmem>>, vector<16xf32>,
      %swap3A_613 = arith.index_cast %scan3A_598 : i32 to index
      %swap3A_614 = arith.constant 32 : index
      %swap3A_615 = tpu.vector_load %arg6[%swap3A_613, %swap3A_614] {strides = array<i32>} : memref<40x128xf32, #tpu.memory_space<vmem>>, vector<16xf32>,
      tpu.vector_store %arg6[%swap3A_613, %swap3A_614], %broadcast_in_dim3A_5 {strides = array<i32>} : memref<40x128xf32, #tpu.memory_space<vmem>>, vector<16xf32>,
      %swap3A_616 = arith.index_cast %scan3A_598 : i32 to index
      %swap3A_617 = arith.constant 48 : index
      %swap3A_618 = tpu.vector_load %arg5[%swap3A_616, %swap3A_617] {strides = array<i32>} : memref<40x128xf32, #tpu.memory_space<vmem>>, vector<16xf32>,
      tpu.vector_store %arg5[%swap3A_616, %swap3A_617], %broadcast_in_dim3A_5 {strides = array<i32>} : memref<40x128xf32, #tpu.memory_space<vmem>>, vector<16xf32>,
      %swap3A_619 = arith.index_cast %scan3A_598 : i32 to index
      %swap3A_620 = arith.constant 48 : index
      %swap3A_621 = tpu.vector_load %arg6[%swap3A_619, %swap3A_620] {strides = array<i32>} : memref<40x128xf32, #tpu.memory_space<vmem>>, vector<16xf32>,
      tpu.vector_store %arg6[%swap3A_619, %swap3A_620], %broadcast_in_dim3A_5 {strides = array<i32>} : memref<40x128xf32, #tpu.memory_space<vmem>>, vector<16xf32>,
      %swap3A_622 = arith.index_cast %scan3A_598 : i32 to index
      %swap3A_623 = arith.constant 64 : index
      %swap3A_624 = tpu.vector_load %arg5[%swap3A_622, %swap3A_623] {strides = array<i32>} : memref<40x128xf32, #tpu.memory_space<vmem>>, vector<16xf32>,
      tpu.vector_store %arg5[%swap3A_622, %swap3A_623], %broadcast_in_dim3A_5 {strides = array<i32>} : memref<40x128xf32, #tpu.memory_space<vmem>>, vector<16xf32>,
      %swap3A_625 = arith.index_cast %scan3A_598 : i32 to index
      %swap3A_626 = arith.constant 64 : index
      %swap3A_627 = tpu.vector_load %arg6[%swap3A_625, %swap3A_626] {strides = array<i32>} : memref<40x128xf32, #tpu.memory_space<vmem>>, vector<16xf32>,
      tpu.vector_store %arg6[%swap3A_625, %swap3A_626], %broadcast_in_dim3A_5 {strides = array<i32>} : memref<40x128xf32, #tpu.memory_space<vmem>>, vector<16xf32>,
      %swap3A_628 = arith.index_cast %scan3A_598 : i32 to index
      %swap3A_629 = arith.constant 80 : index
      %swap3A_630 = tpu.vector_load %arg5[%swap3A_628, %swap3A_629] {strides = array<i32>} : memref<40x128xf32, #tpu.memory_space<vmem>>, vector<16xf32>,
      tpu.vector_store %arg5[%swap3A_628, %swap3A_629], %broadcast_in_dim3A_5 {strides = array<i32>} : memref<40x128xf32, #tpu.memory_space<vmem>>, vector<16xf32>,
      %swap3A_631 = arith.index_cast %scan3A_598 : i32 to index
      %swap3A_632 = arith.constant 80 : index
      %swap3A_633 = tpu.vector_load %arg6[%swap3A_631, %swap3A_632] {strides = array<i32>} : memref<40x128xf32, #tpu.memory_space<vmem>>, vector<16xf32>,
      tpu.vector_store %arg6[%swap3A_631, %swap3A_632], %broadcast_in_dim3A_5 {strides = array<i32>} : memref<40x128xf32, #tpu.memory_space<vmem>>, vector<16xf32>,
      %swap3A_634 = arith.index_cast %scan3A_598 : i32 to index
      %swap3A_635 = arith.constant 96 : index
      %swap3A_636 = tpu.vector_load %arg5[%swap3A_634, %swap3A_635] {strides = array<i32>} : memref<40x128xf32, #tpu.memory_space<vmem>>, vector<16xf32>,
      tpu.vector_store %arg5[%swap3A_634, %swap3A_635], %broadcast_in_dim3A_5 {strides = array<i32>} : memref<40x128xf32, #tpu.memory_space<vmem>>, vector<16xf32>,
      %swap3A_637 = arith.index_cast %scan3A_598 : i32 to index
      %swap3A_638 = arith.constant 96 : index
      %swap3A_639 = tpu.vector_load %arg6[%swap3A_637, %swap3A_638] {strides = array<i32>} : memref<40x128xf32, #tpu.memory_space<vmem>>, vector<16xf32>,
      tpu.vector_store %arg6[%swap3A_637, %swap3A_638], %broadcast_in_dim3A_5 {strides = array<i32>} : memref<40x128xf32, #tpu.memory_space<vmem>>, vector<16xf32>,
      %swap3A_640 = arith.index_cast %scan3A_598 : i32 to index
      %swap3A_641 = arith.constant 112 : index
      %swap3A_642 = tpu.vector_load %arg5[%swap3A_640, %swap3A_641] {strides = array<i32>} : memref<40x128xf32, #tpu.memory_space<vmem>>, vector<16xf32>,
      tpu.vector_store %arg5[%swap3A_640, %swap3A_641], %broadcast_in_dim3A_5 {strides = array<i32>} : memref<40x128xf32, #tpu.memory_space<vmem>>, vector<16xf32>,
      %swap3A_643 = arith.index_cast %scan3A_598 : i32 to index
      %swap3A_644 = arith.constant 112 : index
      %swap3A_645 = tpu.vector_load %arg6[%swap3A_643, %swap3A_644] {strides = array<i32>} : memref<40x128xf32, #tpu.memory_space<vmem>>, vector<16xf32>,
      tpu.vector_store %arg6[%swap3A_643, %swap3A_644], %broadcast_in_dim3A_5 {strides = array<i32>} : memref<40x128xf32, #tpu.memory_space<vmem>>, vector<16xf32>,
    }
    %scan3A_169 = arith.constant 40 : i32
    %add3A_170 = arith.constant 0 : i32
    %add3A_171 = arith.addi %add3A_170, %mul3A_2 : i32
    %dma_wait3A = arith.constant 0 : i32
    %dma_wait3A_172 = tpu.memref_slice %arg4[%dma_wait3A] : memref<2560xi32, #tpu.memory_space<vmem>> -> memref<128xi32, #tpu.memory_space<vmem>>
    %dma_wait3A_173 = tpu.memref_slice %arg2[%add3A_171] : memref<81920xi32, #tpu.memory_space<hbm>> -> memref<128xi32, #tpu.memory_space<hbm>>
    %dma_wait3A_174 = arith.constant 0 : i32
    %dma_wait3A_175 = tpu.memref_slice %arg4[%dma_wait3A_174] : memref<2560xi32, #tpu.memory_space<vmem>> -> memref<128xi32, #tpu.memory_space<vmem>>
    %dma_wait3A_176 = tpu.memref_slice %arg2[%add3A_171] : memref<81920xi32, #tpu.memory_space<hbm>> -> memref<128xi32, #tpu.memory_space<hbm>>
    tpu.wait_dma2 semaphore(%arg7 : memref<!tpu.dma_semaphore, #tpu.memory_space<semaphore_mem>>) src(%dma_wait3A_176 : memref<128xi32, #tpu.memory_space<hbm>>) dst(%dma_wait3A_175 : memref<128xi32, #tpu.memory_space<vmem>>)
    %add3A_177 = arith.constant 4096 : i32
    %add3A_178 = arith.addi %add3A_177, %mul3A_2 : i32
    %dma_wait3A_179 = arith.constant 128 : i32
    %dma_wait3A_180 = tpu.memref_slice %arg4[%dma_wait3A_179] : memref<2560xi32, #tpu.memory_space<vmem>> -> memref<128xi32, #tpu.memory_space<vmem>>
    %dma_wait3A_181 = tpu.memref_slice %arg2[%add3A_178] : memref<81920xi32, #tpu.memory_space<hbm>> -> memref<128xi32, #tpu.memory_space<hbm>>
    %dma_wait3A_182 = arith.constant 128 : i32
    %dma_wait3A_183 = tpu.memref_slice %arg4[%dma_wait3A_182] : memref<2560xi32, #tpu.memory_space<vmem>> -> memref<128xi32, #tpu.memory_space<vmem>>
    %dma_wait3A_184 = tpu.memref_slice %arg2[%add3A_178] : memref<81920xi32, #tpu.memory_space<hbm>> -> memref<128xi32, #tpu.memory_space<hbm>>
    tpu.wait_dma2 semaphore(%arg7 : memref<!tpu.dma_semaphore, #tpu.memory_space<semaphore_mem>>) src(%dma_wait3A_184 : memref<128xi32, #tpu.memory_space<hbm>>) dst(%dma_wait3A_183 : memref<128xi32, #tpu.memory_space<vmem>>)
    %add3A_185 = arith.constant 8192 : i32
    %add3A_186 = arith.addi %add3A_185, %mul3A_2 : i32
    %dma_wait3A_187 = arith.constant 256 : i32
    %dma_wait3A_188 = tpu.memref_slice %arg4[%dma_wait3A_187] : memref<2560xi32, #tpu.memory_space<vmem>> -> memref<128xi32, #tpu.memory_space<vmem>>
    %dma_wait3A_189 = tpu.memref_slice %arg2[%add3A_186] : memref<81920xi32, #tpu.memory_space<hbm>> -> memref<128xi32, #tpu.memory_space<hbm>>
    %dma_wait3A_190 = arith.constant 256 : i32
    %dma_wait3A_191 = tpu.memref_slice %arg4[%dma_wait3A_190] : memref<2560xi32, #tpu.memory_space<vmem>> -> memref<128xi32, #tpu.memory_space<vmem>>
    %dma_wait3A_192 = tpu.memref_slice %arg2[%add3A_186] : memref<81920xi32, #tpu.memory_space<hbm>> -> memref<128xi32, #tpu.memory_space<hbm>>
    tpu.wait_dma2 semaphore(%arg7 : memref<!tpu.dma_semaphore, #tpu.memory_space<semaphore_mem>>) src(%dma_wait3A_192 : memref<128xi32, #tpu.memory_space<hbm>>) dst(%dma_wait3A_191 : memref<128xi32, #tpu.memory_space<vmem>>)
    %add3A_193 = arith.constant 12288 : i32
    %add3A_194 = arith.addi %add3A_193, %mul3A_2 : i32
    %dma_wait3A_195 = arith.constant 384 : i32
    %dma_wait3A_196 = tpu.memref_slice %arg4[%dma_wait3A_195] : memref<2560xi32, #tpu.memory_space<vmem>> -> memref<128xi32, #tpu.memory_space<vmem>>
    %dma_wait3A_197 = tpu.memref_slice %arg2[%add3A_194] : memref<81920xi32, #tpu.memory_space<hbm>> -> memref<128xi32, #tpu.memory_space<hbm>>
    %dma_wait3A_198 = arith.constant 384 : i32
    %dma_wait3A_199 = tpu.memref_slice %arg4[%dma_wait3A_198] : memref<2560xi32, #tpu.memory_space<vmem>> -> memref<128xi32, #tpu.memory_space<vmem>>
    %dma_wait3A_200 = tpu.memref_slice %arg2[%add3A_194] : memref<81920xi32, #tpu.memory_space<hbm>> -> memref<128xi32, #tpu.memory_space<hbm>>
    tpu.wait_dma2 semaphore(%arg7 : memref<!tpu.dma_semaphore, #tpu.memory_space<semaphore_mem>>) src(%dma_wait3A_200 : memref<128xi32, #tpu.memory_space<hbm>>) dst(%dma_wait3A_199 : memref<128xi32, #tpu.memory_space<vmem>>)
    %add3A_201 = arith.constant 16384 : i32
    %add3A_202 = arith.addi %add3A_201, %mul3A_2 : i32
    %dma_wait3A_203 = arith.constant 512 : i32
    %dma_wait3A_204 = tpu.memref_slice %arg4[%dma_wait3A_203] : memref<2560xi32, #tpu.memory_space<vmem>> -> memref<128xi32, #tpu.memory_space<vmem>>
    %dma_wait3A_205 = tpu.memref_slice %arg2[%add3A_202] : memref<81920xi32, #tpu.memory_space<hbm>> -> memref<128xi32, #tpu.memory_space<hbm>>
    %dma_wait3A_206 = arith.constant 512 : i32
    %dma_wait3A_207 = tpu.memref_slice %arg4[%dma_wait3A_206] : memref<2560xi32, #tpu.memory_space<vmem>> -> memref<128xi32, #tpu.memory_space<vmem>>
    %dma_wait3A_208 = tpu.memref_slice %arg2[%add3A_202] : memref<81920xi32, #tpu.memory_space<hbm>> -> memref<128xi32, #tpu.memory_space<hbm>>
    tpu.wait_dma2 semaphore(%arg7 : memref<!tpu.dma_semaphore, #tpu.memory_space<semaphore_mem>>) src(%dma_wait3A_208 : memref<128xi32, #tpu.memory_space<hbm>>) dst(%dma_wait3A_207 : memref<128xi32, #tpu.memory_space<vmem>>)
    %add3A_209 = arith.constant 20480 : i32
    %add3A_210 = arith.addi %add3A_209, %mul3A_2 : i32
    %dma_wait3A_211 = arith.constant 640 : i32
    %dma_wait3A_212 = tpu.memref_slice %arg4[%dma_wait3A_211] : memref<2560xi32, #tpu.memory_space<vmem>> -> memref<128xi32, #tpu.memory_space<vmem>>
    %dma_wait3A_213 = tpu.memref_slice %arg2[%add3A_210] : memref<81920xi32, #tpu.memory_space<hbm>> -> memref<128xi32, #tpu.memory_space<hbm>>
    %dma_wait3A_214 = arith.constant 640 : i32
    %dma_wait3A_215 = tpu.memref_slice %arg4[%dma_wait3A_214] : memref<2560xi32, #tpu.memory_space<vmem>> -> memref<128xi32, #tpu.memory_space<vmem>>
    %dma_wait3A_216 = tpu.memref_slice %arg2[%add3A_210] : memref<81920xi32, #tpu.memory_space<hbm>> -> memref<128xi32, #tpu.memory_space<hbm>>
    tpu.wait_dma2 semaphore(%arg7 : memref<!tpu.dma_semaphore, #tpu.memory_space<semaphore_mem>>) src(%dma_wait3A_216 : memref<128xi32, #tpu.memory_space<hbm>>) dst(%dma_wait3A_215 : memref<128xi32, #tpu.memory_space<vmem>>)
    %add3A_217 = arith.constant 24576 : i32
    %add3A_218 = arith.addi %add3A_217, %mul3A_2 : i32
    %dma_wait3A_219 = arith.constant 768 : i32
    %dma_wait3A_220 = tpu.memref_slice %arg4[%dma_wait3A_219] : memref<2560xi32, #tpu.memory_space<vmem>> -> memref<128xi32, #tpu.memory_space<vmem>>
    %dma_wait3A_221 = tpu.memref_slice %arg2[%add3A_218] : memref<81920xi32, #tpu.memory_space<hbm>> -> memref<128xi32, #tpu.memory_space<hbm>>
    %dma_wait3A_222 = arith.constant 768 : i32
    %dma_wait3A_223 = tpu.memref_slice %arg4[%dma_wait3A_222] : memref<2560xi32, #tpu.memory_space<vmem>> -> memref<128xi32, #tpu.memory_space<vmem>>
    %dma_wait3A_224 = tpu.memref_slice %arg2[%add3A_218] : memref<81920xi32, #tpu.memory_space<hbm>> -> memref<128xi32, #tpu.memory_space<hbm>>
    tpu.wait_dma2 semaphore(%arg7 : memref<!tpu.dma_semaphore, #tpu.memory_space<semaphore_mem>>) src(%dma_wait3A_224 : memref<128xi32, #tpu.memory_space<hbm>>) dst(%dma_wait3A_223 : memref<128xi32, #tpu.memory_space<vmem>>)
    %add3A_225 = arith.constant 28672 : i32
    %add3A_226 = arith.addi %add3A_225, %mul3A_2 : i32
    %dma_wait3A_227 = arith.constant 896 : i32
    %dma_wait3A_228 = tpu.memref_slice %arg4[%dma_wait3A_227] : memref<2560xi32, #tpu.memory_space<vmem>> -> memref<128xi32, #tpu.memory_space<vmem>>
    %dma_wait3A_229 = tpu.memref_slice %arg2[%add3A_226] : memref<81920xi32, #tpu.memory_space<hbm>> -> memref<128xi32, #tpu.memory_space<hbm>>
    %dma_wait3A_230 = arith.constant 896 : i32
    %dma_wait3A_231 = tpu.memref_slice %arg4[%dma_wait3A_230] : memref<2560xi32, #tpu.memory_space<vmem>> -> memref<128xi32, #tpu.memory_space<vmem>>
    %dma_wait3A_232 = tpu.memref_slice %arg2[%add3A_226] : memref<81920xi32, #tpu.memory_space<hbm>> -> memref<128xi32, #tpu.memory_space<hbm>>
    tpu.wait_dma2 semaphore(%arg7 : memref<!tpu.dma_semaphore, #tpu.memory_space<semaphore_mem>>) src(%dma_wait3A_232 : memref<128xi32, #tpu.memory_space<hbm>>) dst(%dma_wait3A_231 : memref<128xi32, #tpu.memory_space<vmem>>)
    %add3A_233 = arith.constant 32768 : i32
    %add3A_234 = arith.addi %add3A_233, %mul3A_2 : i32
    %dma_wait3A_235 = arith.constant 1024 : i32
    %dma_wait3A_236 = tpu.memref_slice %arg4[%dma_wait3A_235] : memref<2560xi32, #tpu.memory_space<vmem>> -> memref<128xi32, #tpu.memory_space<vmem>>
    %dma_wait3A_237 = tpu.memref_slice %arg2[%add3A_234] : memref<81920xi32, #tpu.memory_space<hbm>> -> memref<128xi32, #tpu.memory_space<hbm>>
    %dma_wait3A_238 = arith.constant 1024 : i32
    %dma_wait3A_239 = tpu.memref_slice %arg4[%dma_wait3A_238] : memref<2560xi32, #tpu.memory_space<vmem>> -> memref<128xi32, #tpu.memory_space<vmem>>
    %dma_wait3A_240 = tpu.memref_slice %arg2[%add3A_234] : memref<81920xi32, #tpu.memory_space<hbm>> -> memref<128xi32, #tpu.memory_space<hbm>>
    tpu.wait_dma2 semaphore(%arg7 : memref<!tpu.dma_semaphore, #tpu.memory_space<semaphore_mem>>) src(%dma_wait3A_240 : memref<128xi32, #tpu.memory_space<hbm>>) dst(%dma_wait3A_239 : memref<128xi32, #tpu.memory_space<vmem>>)
    %add3A_241 = arith.constant 36864 : i32
    %add3A_242 = arith.addi %add3A_241, %mul3A_2 : i32
    %dma_wait3A_243 = arith.constant 1152 : i32
    %dma_wait3A_244 = tpu.memref_slice %arg4[%dma_wait3A_243] : memref<2560xi32, #tpu.memory_space<vmem>> -> memref<128xi32, #tpu.memory_space<vmem>>
    %dma_wait3A_245 = tpu.memref_slice %arg2[%add3A_242] : memref<81920xi32, #tpu.memory_space<hbm>> -> memref<128xi32, #tpu.memory_space<hbm>>
    %dma_wait3A_246 = arith.constant 1152 : i32
    %dma_wait3A_247 = tpu.memref_slice %arg4[%dma_wait3A_246] : memref<2560xi32, #tpu.memory_space<vmem>> -> memref<128xi32, #tpu.memory_space<vmem>>
    %dma_wait3A_248 = tpu.memref_slice %arg2[%add3A_242] : memref<81920xi32, #tpu.memory_space<hbm>> -> memref<128xi32, #tpu.memory_space<hbm>>
    tpu.wait_dma2 semaphore(%arg7 : memref<!tpu.dma_semaphore, #tpu.memory_space<semaphore_mem>>) src(%dma_wait3A_248 : memref<128xi32, #tpu.memory_space<hbm>>) dst(%dma_wait3A_247 : memref<128xi32, #tpu.memory_space<vmem>>)
    %add3A_249 = arith.constant 40960 : i32
    %add3A_250 = arith.addi %add3A_249, %mul3A_2 : i32
    %dma_wait3A_251 = arith.constant 1280 : i32
    %dma_wait3A_252 = tpu.memref_slice %arg4[%dma_wait3A_251] : memref<2560xi32, #tpu.memory_space<vmem>> -> memref<128xi32, #tpu.memory_space<vmem>>
    %dma_wait3A_253 = tpu.memref_slice %arg2[%add3A_250] : memref<81920xi32, #tpu.memory_space<hbm>> -> memref<128xi32, #tpu.memory_space<hbm>>
    %dma_wait3A_254 = arith.constant 1280 : i32
    %dma_wait3A_255 = tpu.memref_slice %arg4[%dma_wait3A_254] : memref<2560xi32, #tpu.memory_space<vmem>> -> memref<128xi32, #tpu.memory_space<vmem>>
    %dma_wait3A_256 = tpu.memref_slice %arg2[%add3A_250] : memref<81920xi32, #tpu.memory_space<hbm>> -> memref<128xi32, #tpu.memory_space<hbm>>
    tpu.wait_dma2 semaphore(%arg7 : memref<!tpu.dma_semaphore, #tpu.memory_space<semaphore_mem>>) src(%dma_wait3A_256 : memref<128xi32, #tpu.memory_space<hbm>>) dst(%dma_wait3A_255 : memref<128xi32, #tpu.memory_space<vmem>>)
    %add3A_257 = arith.constant 45056 : i32
    %add3A_258 = arith.addi %add3A_257, %mul3A_2 : i32
    %dma_wait3A_259 = arith.constant 1408 : i32
    %dma_wait3A_260 = tpu.memref_slice %arg4[%dma_wait3A_259] : memref<2560xi32, #tpu.memory_space<vmem>> -> memref<128xi32, #tpu.memory_space<vmem>>
    %dma_wait3A_261 = tpu.memref_slice %arg2[%add3A_258] : memref<81920xi32, #tpu.memory_space<hbm>> -> memref<128xi32, #tpu.memory_space<hbm>>
    %dma_wait3A_262 = arith.constant 1408 : i32
    %dma_wait3A_263 = tpu.memref_slice %arg4[%dma_wait3A_262] : memref<2560xi32, #tpu.memory_space<vmem>> -> memref<128xi32, #tpu.memory_space<vmem>>
    %dma_wait3A_264 = tpu.memref_slice %arg2[%add3A_258] : memref<81920xi32, #tpu.memory_space<hbm>> -> memref<128xi32, #tpu.memory_space<hbm>>
    tpu.wait_dma2 semaphore(%arg7 : memref<!tpu.dma_semaphore, #tpu.memory_space<semaphore_mem>>) src(%dma_wait3A_264 : memref<128xi32, #tpu.memory_space<hbm>>) dst(%dma_wait3A_263 : memref<128xi32, #tpu.memory_space<vmem>>)
    %add3A_265 = arith.constant 49152 : i32
    %add3A_266 = arith.addi %add3A_265, %mul3A_2 : i32
    %dma_wait3A_267 = arith.constant 1536 : i32
    %dma_wait3A_268 = tpu.memref_slice %arg4[%dma_wait3A_267] : memref<2560xi32, #tpu.memory_space<vmem>> -> memref<128xi32, #tpu.memory_space<vmem>>
    %dma_wait3A_269 = tpu.memref_slice %arg2[%add3A_266] : memref<81920xi32, #tpu.memory_space<hbm>> -> memref<128xi32, #tpu.memory_space<hbm>>
    %dma_wait3A_270 = arith.constant 1536 : i32
    %dma_wait3A_271 = tpu.memref_slice %arg4[%dma_wait3A_270] : memref<2560xi32, #tpu.memory_space<vmem>> -> memref<128xi32, #tpu.memory_space<vmem>>
    %dma_wait3A_272 = tpu.memref_slice %arg2[%add3A_266] : memref<81920xi32, #tpu.memory_space<hbm>> -> memref<128xi32, #tpu.memory_space<hbm>>
    tpu.wait_dma2 semaphore(%arg7 : memref<!tpu.dma_semaphore, #tpu.memory_space<semaphore_mem>>) src(%dma_wait3A_272 : memref<128xi32, #tpu.memory_space<hbm>>) dst(%dma_wait3A_271 : memref<128xi32, #tpu.memory_space<vmem>>)
    %add3A_273 = arith.constant 53248 : i32
    %add3A_274 = arith.addi %add3A_273, %mul3A_2 : i32
    %dma_wait3A_275 = arith.constant 1664 : i32
    %dma_wait3A_276 = tpu.memref_slice %arg4[%dma_wait3A_275] : memref<2560xi32, #tpu.memory_space<vmem>> -> memref<128xi32, #tpu.memory_space<vmem>>
    %dma_wait3A_277 = tpu.memref_slice %arg2[%add3A_274] : memref<81920xi32, #tpu.memory_space<hbm>> -> memref<128xi32, #tpu.memory_space<hbm>>
    %dma_wait3A_278 = arith.constant 1664 : i32
    %dma_wait3A_279 = tpu.memref_slice %arg4[%dma_wait3A_278] : memref<2560xi32, #tpu.memory_space<vmem>> -> memref<128xi32, #tpu.memory_space<vmem>>
    %dma_wait3A_280 = tpu.memref_slice %arg2[%add3A_274] : memref<81920xi32, #tpu.memory_space<hbm>> -> memref<128xi32, #tpu.memory_space<hbm>>
    tpu.wait_dma2 semaphore(%arg7 : memref<!tpu.dma_semaphore, #tpu.memory_space<semaphore_mem>>) src(%dma_wait3A_280 : memref<128xi32, #tpu.memory_space<hbm>>) dst(%dma_wait3A_279 : memref<128xi32, #tpu.memory_space<vmem>>)
    %add3A_281 = arith.constant 57344 : i32
    %add3A_282 = arith.addi %add3A_281, %mul3A_2 : i32
    %dma_wait3A_283 = arith.constant 1792 : i32
    %dma_wait3A_284 = tpu.memref_slice %arg4[%dma_wait3A_283] : memref<2560xi32, #tpu.memory_space<vmem>> -> memref<128xi32, #tpu.memory_space<vmem>>
    %dma_wait3A_285 = tpu.memref_slice %arg2[%add3A_282] : memref<81920xi32, #tpu.memory_space<hbm>> -> memref<128xi32, #tpu.memory_space<hbm>>
    %dma_wait3A_286 = arith.constant 1792 : i32
    %dma_wait3A_287 = tpu.memref_slice %arg4[%dma_wait3A_286] : memref<2560xi32, #tpu.memory_space<vmem>> -> memref<128xi32, #tpu.memory_space<vmem>>
    %dma_wait3A_288 = tpu.memref_slice %arg2[%add3A_282] : memref<81920xi32, #tpu.memory_space<hbm>> -> memref<128xi32, #tpu.memory_space<hbm>>
    tpu.wait_dma2 semaphore(%arg7 : memref<!tpu.dma_semaphore, #tpu.memory_space<semaphore_mem>>) src(%dma_wait3A_288 : memref<128xi32, #tpu.memory_space<hbm>>) dst(%dma_wait3A_287 : memref<128xi32, #tpu.memory_space<vmem>>)
    %add3A_289 = arith.constant 61440 : i32
    %add3A_290 = arith.addi %add3A_289, %mul3A_2 : i32
    %dma_wait3A_291 = arith.constant 1920 : i32
    %dma_wait3A_292 = tpu.memref_slice %arg4[%dma_wait3A_291] : memref<2560xi32, #tpu.memory_space<vmem>> -> memref<128xi32, #tpu.memory_space<vmem>>
    %dma_wait3A_293 = tpu.memref_slice %arg2[%add3A_290] : memref<81920xi32, #tpu.memory_space<hbm>> -> memref<128xi32, #tpu.memory_space<hbm>>
    %dma_wait3A_294 = arith.constant 1920 : i32
    %dma_wait3A_295 = tpu.memref_slice %arg4[%dma_wait3A_294] : memref<2560xi32, #tpu.memory_space<vmem>> -> memref<128xi32, #tpu.memory_space<vmem>>
    %dma_wait3A_296 = tpu.memref_slice %arg2[%add3A_290] : memref<81920xi32, #tpu.memory_space<hbm>> -> memref<128xi32, #tpu.memory_space<hbm>>
    tpu.wait_dma2 semaphore(%arg7 : memref<!tpu.dma_semaphore, #tpu.memory_space<semaphore_mem>>) src(%dma_wait3A_296 : memref<128xi32, #tpu.memory_space<hbm>>) dst(%dma_wait3A_295 : memref<128xi32, #tpu.memory_space<vmem>>)
    %add3A_297 = arith.constant 65536 : i32
    %add3A_298 = arith.addi %add3A_297, %mul3A_2 : i32
    %dma_wait3A_299 = arith.constant 2048 : i32
    %dma_wait3A_300 = tpu.memref_slice %arg4[%dma_wait3A_299] : memref<2560xi32, #tpu.memory_space<vmem>> -> memref<128xi32, #tpu.memory_space<vmem>>
    %dma_wait3A_301 = tpu.memref_slice %arg2[%add3A_298] : memref<81920xi32, #tpu.memory_space<hbm>> -> memref<128xi32, #tpu.memory_space<hbm>>
    %dma_wait3A_302 = arith.constant 2048 : i32
    %dma_wait3A_303 = tpu.memref_slice %arg4[%dma_wait3A_302] : memref<2560xi32, #tpu.memory_space<vmem>> -> memref<128xi32, #tpu.memory_space<vmem>>
    %dma_wait3A_304 = tpu.memref_slice %arg2[%add3A_298] : memref<81920xi32, #tpu.memory_space<hbm>> -> memref<128xi32, #tpu.memory_space<hbm>>
    tpu.wait_dma2 semaphore(%arg7 : memref<!tpu.dma_semaphore, #tpu.memory_space<semaphore_mem>>) src(%dma_wait3A_304 : memref<128xi32, #tpu.memory_space<hbm>>) dst(%dma_wait3A_303 : memref<128xi32, #tpu.memory_space<vmem>>)
    %add3A_305 = arith.constant 69632 : i32
    %add3A_306 = arith.addi %add3A_305, %mul3A_2 : i32
    %dma_wait3A_307 = arith.constant 2176 : i32
    %dma_wait3A_308 = tpu.memref_slice %arg4[%dma_wait3A_307] : memref<2560xi32, #tpu.memory_space<vmem>> -> memref<128xi32, #tpu.memory_space<vmem>>
    %dma_wait3A_309 = tpu.memref_slice %arg2[%add3A_306] : memref<81920xi32, #tpu.memory_space<hbm>> -> memref<128xi32, #tpu.memory_space<hbm>>
    %dma_wait3A_310 = arith.constant 2176 : i32
    %dma_wait3A_311 = tpu.memref_slice %arg4[%dma_wait3A_310] : memref<2560xi32, #tpu.memory_space<vmem>> -> memref<128xi32, #tpu.memory_space<vmem>>
    %dma_wait3A_312 = tpu.memref_slice %arg2[%add3A_306] : memref<81920xi32, #tpu.memory_space<hbm>> -> memref<128xi32, #tpu.memory_space<hbm>>
    tpu.wait_dma2 semaphore(%arg7 : memref<!tpu.dma_semaphore, #tpu.memory_space<semaphore_mem>>) src(%dma_wait3A_312 : memref<128xi32, #tpu.memory_space<hbm>>) dst(%dma_wait3A_311 : memref<128xi32, #tpu.memory_space<vmem>>)
    %add3A_313 = arith.constant 73728 : i32
    %add3A_314 = arith.addi %add3A_313, %mul3A_2 : i32
    %dma_wait3A_315 = arith.constant 2304 : i32
    %dma_wait3A_316 = tpu.memref_slice %arg4[%dma_wait3A_315] : memref<2560xi32, #tpu.memory_space<vmem>> -> memref<128xi32, #tpu.memory_space<vmem>>
    %dma_wait3A_317 = tpu.memref_slice %arg2[%add3A_314] : memref<81920xi32, #tpu.memory_space<hbm>> -> memref<128xi32, #tpu.memory_space<hbm>>
    %dma_wait3A_318 = arith.constant 2304 : i32
    %dma_wait3A_319 = tpu.memref_slice %arg4[%dma_wait3A_318] : memref<2560xi32, #tpu.memory_space<vmem>> -> memref<128xi32, #tpu.memory_space<vmem>>
    %dma_wait3A_320 = tpu.memref_slice %arg2[%add3A_314] : memref<81920xi32, #tpu.memory_space<hbm>> -> memref<128xi32, #tpu.memory_space<hbm>>
    tpu.wait_dma2 semaphore(%arg7 : memref<!tpu.dma_semaphore, #tpu.memory_space<semaphore_mem>>) src(%dma_wait3A_320 : memref<128xi32, #tpu.memory_space<hbm>>) dst(%dma_wait3A_319 : memref<128xi32, #tpu.memory_space<vmem>>)
    %add3A_321 = arith.constant 77824 : i32
    %add3A_322 = arith.addi %add3A_321, %mul3A_2 : i32
    %dma_wait3A_323 = arith.constant 2432 : i32
    %dma_wait3A_324 = tpu.memref_slice %arg4[%dma_wait3A_323] : memref<2560xi32, #tpu.memory_space<vmem>> -> memref<128xi32, #tpu.memory_space<vmem>>
    %dma_wait3A_325 = tpu.memref_slice %arg2[%add3A_322] : memref<81920xi32, #tpu.memory_space<hbm>> -> memref<128xi32, #tpu.memory_space<hbm>>
    %dma_wait3A_326 = arith.constant 2432 : i32
    %dma_wait3A_327 = tpu.memref_slice %arg4[%dma_wait3A_326] : memref<2560xi32, #tpu.memory_space<vmem>> -> memref<128xi32, #tpu.memory_space<vmem>>
    %dma_wait3A_328 = tpu.memref_slice %arg2[%add3A_322] : memref<81920xi32, #tpu.memory_space<hbm>> -> memref<128xi32, #tpu.memory_space<hbm>>
    tpu.wait_dma2 semaphore(%arg7 : memref<!tpu.dma_semaphore, #tpu.memory_space<semaphore_mem>>) src(%dma_wait3A_328 : memref<128xi32, #tpu.memory_space<hbm>>) dst(%dma_wait3A_327 : memref<128xi32, #tpu.memory_space<vmem>>)
    %get3A = arith.constant 0 : index
    %get3A_329 = tpu.vector_load %arg4[%get3A] {strides = array<i32>} : memref<2560xi32, #tpu.memory_space<vmem>>, vector<16xi32>,
    %sub3A = arith.constant 0 : i32
    %sub3A_330 = vector.broadcast %sub3A : i32 to vector<16xi32>
    %sub3A_331 = arith.subi %get3A_329, %sub3A_330 : vector<16xi32>
    %ge3A = arith.constant 0 : i32
    %ge3A_332 = vector.broadcast %ge3A : i32 to vector<16xi32>
    %ge3A_333 = arith.cmpi sge, %sub3A_331, %ge3A_332 : vector<16xi32>
    %lt3A = arith.constant 40 : i32
    %lt3A_334 = vector.broadcast %lt3A : i32 to vector<16xi32>
    %lt3A_335 = arith.cmpi slt, %sub3A_331, %lt3A_334 : vector<16xi32>
    %and3A = arith.andi %ge3A_333, %lt3A_335 : vector<16xi1>
    %add3A_336 = arith.constant 0 : i32
    %add3A_337 = vector.broadcast %add3A_336 : i32 to vector<16xi32>
    %add3A_338 = arith.addi %iota3A, %add3A_337 : vector<16xi32>
    tpu.vector_store_idx %arg5[%sub3A_331, %add3A_338], %broadcast_in_dim3A_3 masked %and3A : memref<40x128xf32, #tpu.memory_space<vmem>>[vector<16xi32>, vector<16xi32>], vector<16xf32>, vector<16xi1>
    %get3A_339 = arith.constant 16 : index
    %get3A_340 = tpu.vector_load %arg4[%get3A_339] {strides = array<i32>} : memref<2560xi32, #tpu.memory_space<vmem>>, vector<16xi32>,
    %sub3A_341 = arith.constant 0 : i32
    %sub3A_342 = vector.broadcast %sub3A_341 : i32 to vector<16xi32>
    %sub3A_343 = arith.subi %get3A_340, %sub3A_342 : vector<16xi32>
    %ge3A_344 = arith.constant 0 : i32
    %ge3A_345 = vector.broadcast %ge3A_344 : i32 to vector<16xi32>
    %ge3A_346 = arith.cmpi sge, %sub3A_343, %ge3A_345 : vector<16xi32>
    %lt3A_347 = arith.constant 40 : i32
    %lt3A_348 = vector.broadcast %lt3A_347 : i32 to vector<16xi32>
    %lt3A_349 = arith.cmpi slt, %sub3A_343, %lt3A_348 : vector<16xi32>
    %and3A_350 = arith.andi %ge3A_346, %lt3A_349 : vector<16xi1>
    %add3A_351 = arith.constant 16 : i32
    %add3A_352 = vector.broadcast %add3A_351 : i32 to vector<16xi32>
    %add3A_353 = arith.addi %iota3A, %add3A_352 : vector<16xi32>
    tpu.vector_store_idx %arg5[%sub3A_343, %add3A_353], %broadcast_in_dim3A_3 masked %and3A_350 : memref<40x128xf32, #tpu.memory_space<vmem>>[vector<16xi32>, vector<16xi32>], vector<16xf32>, vector<16xi1>
    %get3A_354 = arith.constant 32 : index
    %get3A_355 = tpu.vector_load %arg4[%get3A_354] {strides = array<i32>} : memref<2560xi32, #tpu.memory_space<vmem>>, vector<16xi32>,
    %sub3A_356 = arith.constant 0 : i32
    %sub3A_357 = vector.broadcast %sub3A_356 : i32 to vector<16xi32>
    %sub3A_358 = arith.subi %get3A_355, %sub3A_357 : vector<16xi32>
    %ge3A_359 = arith.constant 0 : i32
    %ge3A_360 = vector.broadcast %ge3A_359 : i32 to vector<16xi32>
    %ge3A_361 = arith.cmpi sge, %sub3A_358, %ge3A_360 : vector<16xi32>
    %lt3A_362 = arith.constant 40 : i32
    %lt3A_363 = vector.broadcast %lt3A_362 : i32 to vector<16xi32>
    %lt3A_364 = arith.cmpi slt, %sub3A_358, %lt3A_363 : vector<16xi32>
    %and3A_365 = arith.andi %ge3A_361, %lt3A_364 : vector<16xi1>
    %add3A_366 = arith.constant 32 : i32
    %add3A_367 = vector.broadcast %add3A_366 : i32 to vector<16xi32>
    %add3A_368 = arith.addi %iota3A, %add3A_367 : vector<16xi32>
    tpu.vector_store_idx %arg5[%sub3A_358, %add3A_368], %broadcast_in_dim3A_3 masked %and3A_365 : memref<40x128xf32, #tpu.memory_space<vmem>>[vector<16xi32>, vector<16xi32>], vector<16xf32>, vector<16xi1>
    %get3A_369 = arith.constant 48 : index
    %get3A_370 = tpu.vector_load %arg4[%get3A_369] {strides = array<i32>} : memref<2560xi32, #tpu.memory_space<vmem>>, vector<16xi32>,
    %sub3A_371 = arith.constant 0 : i32
    %sub3A_372 = vector.broadcast %sub3A_371 : i32 to vector<16xi32>
    %sub3A_373 = arith.subi %get3A_370, %sub3A_372 : vector<16xi32>
    %ge3A_374 = arith.constant 0 : i32
    %ge3A_375 = vector.broadcast %ge3A_374 : i32 to vector<16xi32>
    %ge3A_376 = arith.cmpi sge, %sub3A_373, %ge3A_375 : vector<16xi32>
    %lt3A_377 = arith.constant 40 : i32
    %lt3A_378 = vector.broadcast %lt3A_377 : i32 to vector<16xi32>
    %lt3A_379 = arith.cmpi slt, %sub3A_373, %lt3A_378 : vector<16xi32>
    %and3A_380 = arith.andi %ge3A_376, %lt3A_379 : vector<16xi1>
    %add3A_381 = arith.constant 48 : i32
    %add3A_382 = vector.broadcast %add3A_381 : i32 to vector<16xi32>
    %add3A_383 = arith.addi %iota3A, %add3A_382 : vector<16xi32>
    tpu.vector_store_idx %arg5[%sub3A_373, %add3A_383], %broadcast_in_dim3A_3 masked %and3A_380 : memref<40x128xf32, #tpu.memory_space<vmem>>[vector<16xi32>, vector<16xi32>], vector<16xf32>, vector<16xi1>
    %get3A_384 = arith.constant 64 : index
    %get3A_385 = tpu.vector_load %arg4[%get3A_384] {strides = array<i32>} : memref<2560xi32, #tpu.memory_space<vmem>>, vector<16xi32>,
    %sub3A_386 = arith.constant 0 : i32
    %sub3A_387 = vector.broadcast %sub3A_386 : i32 to vector<16xi32>
    %sub3A_388 = arith.subi %get3A_385, %sub3A_387 : vector<16xi32>
    %ge3A_389 = arith.constant 0 : i32
    %ge3A_390 = vector.broadcast %ge3A_389 : i32 to vector<16xi32>
    %ge3A_391 = arith.cmpi sge, %sub3A_388, %ge3A_390 : vector<16xi32>
    %lt3A_392 = arith.constant 40 : i32
    %lt3A_393 = vector.broadcast %lt3A_392 : i32 to vector<16xi32>
    %lt3A_394 = arith.cmpi slt, %sub3A_388, %lt3A_393 : vector<16xi32>
    %and3A_395 = arith.andi %ge3A_391, %lt3A_394 : vector<16xi1>
    %add3A_396 = arith.constant 64 : i32
    %add3A_397 = vector.broadcast %add3A_396 : i32 to vector<16xi32>
    %add3A_398 = arith.addi %iota3A, %add3A_397 : vector<16xi32>
    tpu.vector_store_idx %arg5[%sub3A_388, %add3A_398], %broadcast_in_dim3A_3 masked %and3A_395 : memref<40x128xf32, #tpu.memory_space<vmem>>[vector<16xi32>, vector<16xi32>], vector<16xf32>, vector<16xi1>
    %get3A_399 = arith.constant 80 : index
    %get3A_400 = tpu.vector_load %arg4[%get3A_399] {strides = array<i32>} : memref<2560xi32, #tpu.memory_space<vmem>>, vector<16xi32>,
    %sub3A_401 = arith.constant 0 : i32
    %sub3A_402 = vector.broadcast %sub3A_401 : i32 to vector<16xi32>
    %sub3A_403 = arith.subi %get3A_400, %sub3A_402 : vector<16xi32>
    %ge3A_404 = arith.constant 0 : i32
    %ge3A_405 = vector.broadcast %ge3A_404 : i32 to vector<16xi32>
    %ge3A_406 = arith.cmpi sge, %sub3A_403, %ge3A_405 : vector<16xi32>
    %lt3A_407 = arith.constant 40 : i32
    %lt3A_408 = vector.broadcast %lt3A_407 : i32 to vector<16xi32>
    %lt3A_409 = arith.cmpi slt, %sub3A_403, %lt3A_408 : vector<16xi32>
    %and3A_410 = arith.andi %ge3A_406, %lt3A_409 : vector<16xi1>
    %add3A_411 = arith.constant 80 : i32
    %add3A_412 = vector.broadcast %add3A_411 : i32 to vector<16xi32>
    %add3A_413 = arith.addi %iota3A, %add3A_412 : vector<16xi32>
    tpu.vector_store_idx %arg5[%sub3A_403, %add3A_413], %broadcast_in_dim3A_3 masked %and3A_410 : memref<40x128xf32, #tpu.memory_space<vmem>>[vector<16xi32>, vector<16xi32>], vector<16xf32>, vector<16xi1>
    %get3A_414 = arith.constant 96 : index
    %get3A_415 = tpu.vector_load %arg4[%get3A_414] {strides = array<i32>} : memref<2560xi32, #tpu.memory_space<vmem>>, vector<16xi32>,
    %sub3A_416 = arith.constant 0 : i32
    %sub3A_417 = vector.broadcast %sub3A_416 : i32 to vector<16xi32>
    %sub3A_418 = arith.subi %get3A_415, %sub3A_417 : vector<16xi32>
    %ge3A_419 = arith.constant 0 : i32
    %ge3A_420 = vector.broadcast %ge3A_419 : i32 to vector<16xi32>
    %ge3A_421 = arith.cmpi sge, %sub3A_418, %ge3A_420 : vector<16xi32>
    %lt3A_422 = arith.constant 40 : i32
    %lt3A_423 = vector.broadcast %lt3A_422 : i32 to vector<16xi32>
    %lt3A_424 = arith.cmpi slt, %sub3A_418, %lt3A_423 : vector<16xi32>
    %and3A_425 = arith.andi %ge3A_421, %lt3A_424 : vector<16xi1>
    %add3A_426 = arith.constant 96 : i32
    %add3A_427 = vector.broadcast %add3A_426 : i32 to vector<16xi32>
    %add3A_428 = arith.addi %iota3A, %add3A_427 : vector<16xi32>
    tpu.vector_store_idx %arg5[%sub3A_418, %add3A_428], %broadcast_in_dim3A_3 masked %and3A_425 : memref<40x128xf32, #tpu.memory_space<vmem>>[vector<16xi32>, vector<16xi32>], vector<16xf32>, vector<16xi1>
    %get3A_429 = arith.constant 112 : index
    %get3A_430 = tpu.vector_load %arg4[%get3A_429] {strides = array<i32>} : memref<2560xi32, #tpu.memory_space<vmem>>, vector<16xi32>,
    %sub3A_431 = arith.constant 0 : i32
    %sub3A_432 = vector.broadcast %sub3A_431 : i32 to vector<16xi32>
    %sub3A_433 = arith.subi %get3A_430, %sub3A_432 : vector<16xi32>
    %ge3A_434 = arith.constant 0 : i32
    %ge3A_435 = vector.broadcast %ge3A_434 : i32 to vector<16xi32>
    %ge3A_436 = arith.cmpi sge, %sub3A_433, %ge3A_435 : vector<16xi32>
    %lt3A_437 = arith.constant 40 : i32
    %lt3A_438 = vector.broadcast %lt3A_437 : i32 to vector<16xi32>
    %lt3A_439 = arith.cmpi slt, %sub3A_433, %lt3A_438 : vector<16xi32>
    %and3A_440 = arith.andi %ge3A_436, %lt3A_439 : vector<16xi1>
    %add3A_441 = arith.constant 112 : i32
    %add3A_442 = vector.broadcast %add3A_441 : i32 to vector<16xi32>
    %add3A_443 = arith.addi %iota3A, %add3A_442 : vector<16xi32>
    tpu.vector_store_idx %arg5[%sub3A_433, %add3A_443], %broadcast_in_dim3A_3 masked %and3A_440 : memref<40x128xf32, #tpu.memory_space<vmem>>[vector<16xi32>, vector<16xi32>], vector<16xf32>, vector<16xi1>
    %dma_start3A_444 = arith.constant 0 : i32
    %dma_start3A_445 = arith.constant 0 : i32
    %dma_start3A_446 = tpu.memref_slice %arg3[%dma_start3A_444, %dma_start3A_445, %mul3A_2] : memref<20x1000x4096xf32, #tpu.memory_space<hbm>> -> memref<1x40x128xf32, #tpu.memory_space<hbm>>
    %dma_start3A_447 = tpu.memref_squeeze %dma_start3A_446 : memref<1x40x128xf32, #tpu.memory_space<hbm>> -> memref<40x128xf32, #tpu.memory_space<hbm>>
    %dma_start3A_448 = arith.constant 0 : i32
    %dma_start3A_449 = tpu.memref_slice %arg3[%dma_start3A_444, %dma_start3A_448, %mul3A_2] : memref<20x1000x4096xf32, #tpu.memory_space<hbm>> -> memref<1x40x128xf32, #tpu.memory_space<hbm>>
    %dma_start3A_450 = tpu.memref_squeeze %dma_start3A_449 : memref<1x40x128xf32, #tpu.memory_space<hbm>> -> memref<40x128xf32, #tpu.memory_space<hbm>>
    tpu.enqueue_dma source(%arg5 : memref<40x128xf32, #tpu.memory_space<vmem>>) target(%dma_start3A_450 : memref<40x128xf32, #tpu.memory_space<hbm>>) target_semaphore(%arg7 : memref<!tpu.dma_semaphore, #tpu.memory_space<semaphore_mem>>)
    %get3A_451 = arith.constant 0 : index
    %get3A_452 = tpu.vector_load %arg4[%get3A_451] {strides = array<i32>} : memref<2560xi32, #tpu.memory_space<vmem>>, vector<16xi32>,
    %sub3A_453 = arith.constant 40 : i32
    %sub3A_454 = vector.broadcast %sub3A_453 : i32 to vector<16xi32>
    %sub3A_455 = arith.subi %get3A_452, %sub3A_454 : vector<16xi32>
    %ge3A_456 = arith.constant 0 : i32
    %ge3A_457 = vector.broadcast %ge3A_456 : i32 to vector<16xi32>
    %ge3A_458 = arith.cmpi sge, %sub3A_455, %ge3A_457 : vector<16xi32>
    %lt3A_459 = arith.constant 40 : i32
    %lt3A_460 = vector.broadcast %lt3A_459 : i32 to vector<16xi32>
    %lt3A_461 = arith.cmpi slt, %sub3A_455, %lt3A_460 : vector<16xi32>
    %and3A_462 = arith.andi %ge3A_458, %lt3A_461 : vector<16xi1>
    %add3A_463 = arith.constant 0 : i32
    %add3A_464 = vector.broadcast %add3A_463 : i32 to vector<16xi32>
    %add3A_465 = arith.addi %iota3A, %add3A_464 : vector<16xi32>
    tpu.vector_store_idx %arg6[%sub3A_455, %add3A_465], %broadcast_in_dim3A_3 masked %and3A_462 : memref<40x128xf32, #tpu.memory_space<vmem>>[vector<16xi32>, vector<16xi32>], vector<16xf32>, vector<16xi1>
    %get3A_466 = arith.constant 16 : index
    %get3A_467 = tpu.vector_load %arg4[%get3A_466] {strides = array<i32>} : memref<2560xi32, #tpu.memory_space<vmem>>, vector<16xi32>,
    %sub3A_468 = arith.constant 40 : i32
    %sub3A_469 = vector.broadcast %sub3A_468 : i32 to vector<16xi32>
    %sub3A_470 = arith.subi %get3A_467, %sub3A_469 : vector<16xi32>
    %ge3A_471 = arith.constant 0 : i32
    %ge3A_472 = vector.broadcast %ge3A_471 : i32 to vector<16xi32>
    %ge3A_473 = arith.cmpi sge, %sub3A_470, %ge3A_472 : vector<16xi32>
    %lt3A_474 = arith.constant 40 : i32
    %lt3A_475 = vector.broadcast %lt3A_474 : i32 to vector<16xi32>
    %lt3A_476 = arith.cmpi slt, %sub3A_470, %lt3A_475 : vector<16xi32>
    %and3A_477 = arith.andi %ge3A_473, %lt3A_476 : vector<16xi1>
    %add3A_478 = arith.constant 16 : i32
    %add3A_479 = vector.broadcast %add3A_478 : i32 to vector<16xi32>
    %add3A_480 = arith.addi %iota3A, %add3A_479 : vector<16xi32>
    tpu.vector_store_idx %arg6[%sub3A_470, %add3A_480], %broadcast_in_dim3A_3 masked %and3A_477 : memref<40x128xf32, #tpu.memory_space<vmem>>[vector<16xi32>, vector<16xi32>], vector<16xf32>, vector<16xi1>
    %get3A_481 = arith.constant 32 : index
    %get3A_482 = tpu.vector_load %arg4[%get3A_481] {strides = array<i32>} : memref<2560xi32, #tpu.memory_space<vmem>>, vector<16xi32>,
    %sub3A_483 = arith.constant 40 : i32
    %sub3A_484 = vector.broadcast %sub3A_483 : i32 to vector<16xi32>
    %sub3A_485 = arith.subi %get3A_482, %sub3A_484 : vector<16xi32>
    %ge3A_486 = arith.constant 0 : i32
    %ge3A_487 = vector.broadcast %ge3A_486 : i32 to vector<16xi32>
    %ge3A_488 = arith.cmpi sge, %sub3A_485, %ge3A_487 : vector<16xi32>
    %lt3A_489 = arith.constant 40 : i32
    %lt3A_490 = vector.broadcast %lt3A_489 : i32 to vector<16xi32>
    %lt3A_491 = arith.cmpi slt, %sub3A_485, %lt3A_490 : vector<16xi32>
    %and3A_492 = arith.andi %ge3A_488, %lt3A_491 : vector<16xi1>
    %add3A_493 = arith.constant 32 : i32
    %add3A_494 = vector.broadcast %add3A_493 : i32 to vector<16xi32>
    %add3A_495 = arith.addi %iota3A, %add3A_494 : vector<16xi32>
    tpu.vector_store_idx %arg6[%sub3A_485, %add3A_495], %broadcast_in_dim3A_3 masked %and3A_492 : memref<40x128xf32, #tpu.memory_space<vmem>>[vector<16xi32>, vector<16xi32>], vector<16xf32>, vector<16xi1>
    %get3A_496 = arith.constant 48 : index
    %get3A_497 = tpu.vector_load %arg4[%get3A_496] {strides = array<i32>} : memref<2560xi32, #tpu.memory_space<vmem>>, vector<16xi32>,
    %sub3A_498 = arith.constant 40 : i32
    %sub3A_499 = vector.broadcast %sub3A_498 : i32 to vector<16xi32>
    %sub3A_500 = arith.subi %get3A_497, %sub3A_499 : vector<16xi32>
    %ge3A_501 = arith.constant 0 : i32
    %ge3A_502 = vector.broadcast %ge3A_501 : i32 to vector<16xi32>
    %ge3A_503 = arith.cmpi sge, %sub3A_500, %ge3A_502 : vector<16xi32>
    %lt3A_504 = arith.constant 40 : i32
    %lt3A_505 = vector.broadcast %lt3A_504 : i32 to vector<16xi32>
    %lt3A_506 = arith.cmpi slt, %sub3A_500, %lt3A_505 : vector<16xi32>
    %and3A_507 = arith.andi %ge3A_503, %lt3A_506 : vector<16xi1>
    %add3A_508 = arith.constant 48 : i32
    %add3A_509 = vector.broadcast %add3A_508 : i32 to vector<16xi32>
    %add3A_510 = arith.addi %iota3A, %add3A_509 : vector<16xi32>
    tpu.vector_store_idx %arg6[%sub3A_500, %add3A_510], %broadcast_in_dim3A_3 masked %and3A_507 : memref<40x128xf32, #tpu.memory_space<vmem>>[vector<16xi32>, vector<16xi32>], vector<16xf32>, vector<16xi1>
    %get3A_511 = arith.constant 64 : index
    %get3A_512 = tpu.vector_load %arg4[%get3A_511] {strides = array<i32>} : memref<2560xi32, #tpu.memory_space<vmem>>, vector<16xi32>,
    %sub3A_513 = arith.constant 40 : i32
    %sub3A_514 = vector.broadcast %sub3A_513 : i32 to vector<16xi32>
    %sub3A_515 = arith.subi %get3A_512, %sub3A_514 : vector<16xi32>
    %ge3A_516 = arith.constant 0 : i32
    %ge3A_517 = vector.broadcast %ge3A_516 : i32 to vector<16xi32>
    %ge3A_518 = arith.cmpi sge, %sub3A_515, %ge3A_517 : vector<16xi32>
    %lt3A_519 = arith.constant 40 : i32
    %lt3A_520 = vector.broadcast %lt3A_519 : i32 to vector<16xi32>
    %lt3A_521 = arith.cmpi slt, %sub3A_515, %lt3A_520 : vector<16xi32>
    %and3A_522 = arith.andi %ge3A_518, %lt3A_521 : vector<16xi1>
    %add3A_523 = arith.constant 64 : i32
    %add3A_524 = vector.broadcast %add3A_523 : i32 to vector<16xi32>
    %add3A_525 = arith.addi %iota3A, %add3A_524 : vector<16xi32>
    tpu.vector_store_idx %arg6[%sub3A_515, %add3A_525], %broadcast_in_dim3A_3 masked %and3A_522 : memref<40x128xf32, #tpu.memory_space<vmem>>[vector<16xi32>, vector<16xi32>], vector<16xf32>, vector<16xi1>
    %get3A_526 = arith.constant 80 : index
    %get3A_527 = tpu.vector_load %arg4[%get3A_526] {strides = array<i32>} : memref<2560xi32, #tpu.memory_space<vmem>>, vector<16xi32>,
    %sub3A_528 = arith.constant 40 : i32
    %sub3A_529 = vector.broadcast %sub3A_528 : i32 to vector<16xi32>
    %sub3A_530 = arith.subi %get3A_527, %sub3A_529 : vector<16xi32>
    %ge3A_531 = arith.constant 0 : i32
    %ge3A_532 = vector.broadcast %ge3A_531 : i32 to vector<16xi32>
    %ge3A_533 = arith.cmpi sge, %sub3A_530, %ge3A_532 : vector<16xi32>
    %lt3A_534 = arith.constant 40 : i32
    %lt3A_535 = vector.broadcast %lt3A_534 : i32 to vector<16xi32>
    %lt3A_536 = arith.cmpi slt, %sub3A_530, %lt3A_535 : vector<16xi32>
    %and3A_537 = arith.andi %ge3A_533, %lt3A_536 : vector<16xi1>
    %add3A_538 = arith.constant 80 : i32
    %add3A_539 = vector.broadcast %add3A_538 : i32 to vector<16xi32>
    %add3A_540 = arith.addi %iota3A, %add3A_539 : vector<16xi32>
    tpu.vector_store_idx %arg6[%sub3A_530, %add3A_540], %broadcast_in_dim3A_3 masked %and3A_537 : memref<40x128xf32, #tpu.memory_space<vmem>>[vector<16xi32>, vector<16xi32>], vector<16xf32>, vector<16xi1>
    %get3A_541 = arith.constant 96 : index
    %get3A_542 = tpu.vector_load %arg4[%get3A_541] {strides = array<i32>} : memref<2560xi32, #tpu.memory_space<vmem>>, vector<16xi32>,
    %sub3A_543 = arith.constant 40 : i32
    %sub3A_544 = vector.broadcast %sub3A_543 : i32 to vector<16xi32>
    %sub3A_545 = arith.subi %get3A_542, %sub3A_544 : vector<16xi32>
    %ge3A_546 = arith.constant 0 : i32
    %ge3A_547 = vector.broadcast %ge3A_546 : i32 to vector<16xi32>
    %ge3A_548 = arith.cmpi sge, %sub3A_545, %ge3A_547 : vector<16xi32>
    %lt3A_549 = arith.constant 40 : i32
    %lt3A_550 = vector.broadcast %lt3A_549 : i32 to vector<16xi32>
    %lt3A_551 = arith.cmpi slt, %sub3A_545, %lt3A_550 : vector<16xi32>
    %and3A_552 = arith.andi %ge3A_548, %lt3A_551 : vector<16xi1>
    %add3A_553 = arith.constant 96 : i32
    %add3A_554 = vector.broadcast %add3A_553 : i32 to vector<16xi32>
    %add3A_555 = arith.addi %iota3A, %add3A_554 : vector<16xi32>
    tpu.vector_store_idx %arg6[%sub3A_545, %add3A_555], %broadcast_in_dim3A_3 masked %and3A_552 : memref<40x128xf32, #tpu.memory_space<vmem>>[vector<16xi32>, vector<16xi32>], vector<16xf32>, vector<16xi1>
    %get3A_556 = arith.constant 112 : index
    %get3A_557 = tpu.vector_load %arg4[%get3A_556] {strides = array<i32>} : memref<2560xi32, #tpu.memory_space<vmem>>, vector<16xi32>,
    %sub3A_558 = arith.constant 40 : i32
    %sub3A_559 = vector.broadcast %sub3A_558 : i32 to vector<16xi32>
    %sub3A_560 = arith.subi %get3A_557, %sub3A_559 : vector<16xi32>
    %ge3A_561 = arith.constant 0 : i32
    %ge3A_562 = vector.broadcast %ge3A_561 : i32 to vector<16xi32>
    %ge3A_563 = arith.cmpi sge, %sub3A_560, %ge3A_562 : vector<16xi32>
    %lt3A_564 = arith.constant 40 : i32
    %lt3A_565 = vector.broadcast %lt3A_564 : i32 to vector<16xi32>
    %lt3A_566 = arith.cmpi slt, %sub3A_560, %lt3A_565 : vector<16xi32>
    %and3A_567 = arith.andi %ge3A_563, %lt3A_566 : vector<16xi1>
    %add3A_568 = arith.constant 112 : i32
    %add3A_569 = vector.broadcast %add3A_568 : i32 to vector<16xi32>
    %add3A_570 = arith.addi %iota3A, %add3A_569 : vector<16xi32>
    tpu.vector_store_idx %arg6[%sub3A_560, %add3A_570], %broadcast_in_dim3A_3 masked %and3A_567 : memref<40x128xf32, #tpu.memory_space<vmem>>[vector<16xi32>, vector<16xi32>], vector<16xf32>, vector<16xi1>
    %dma_start3A_571 = arith.constant 0 : i32
    %dma_start3A_572 = arith.constant 40 : i32
    %dma_start3A_573 = tpu.memref_slice %arg3[%dma_start3A_571, %dma_start3A_572, %mul3A_2] : memref<20x1000x4096xf32, #tpu.memory_space<hbm>> -> memref<1x40x128xf32, #tpu.memory_space<hbm>>
    %dma_start3A_574 = tpu.memref_squeeze %dma_start3A_573 : memref<1x40x128xf32, #tpu.memory_space<hbm>> -> memref<40x128xf32, #tpu.memory_space<hbm>>
    %dma_start3A_575 = arith.constant 40 : i32
    %dma_start3A_576 = tpu.memref_slice %arg3[%dma_start3A_571, %dma_start3A_575, %mul3A_2] : memref<20x1000x4096xf32, #tpu.memory_space<hbm>> -> memref<1x40x128xf32, #tpu.memory_space<hbm>>
    %dma_start3A_577 = tpu.memref_squeeze %dma_start3A_576 : memref<1x40x128xf32, #tpu.memory_space<hbm>> -> memref<40x128xf32, #tpu.memory_space<hbm>>
    tpu.enqueue_dma source(%arg6 : memref<40x128xf32, #tpu.memory_space<vmem>>) target(%dma_start3A_577 : memref<40x128xf32, #tpu.memory_space<hbm>>) target_semaphore(%arg8 : memref<!tpu.dma_semaphore, #tpu.memory_space<semaphore_mem>>)
    %scan3A_578 = arith.constant 0 : i32
    %scan3A_579 = arith.constant 1 : i32
    %scan3A_580 = arith.constant 249 : i32
    %scan3A_581 = arith.addi %scan3A_579, %scan3A_580 : i32
    %scan3A_582 = arith.constant 1 : i32
    scf.for %scan3A_598 = %scan3A_579 to %scan3A_581 step %scan3A_582  : i32 {
      %mul3A_599 = arith.constant 2 : i32
      %mul3A_600 = arith.muli %scan3A_598, %mul3A_599 : i32
      %add3A_601 = arith.constant 0 : i32
      %add3A_602 = arith.addi %mul3A_600, %add3A_601 : i32
      %sub3A_603 = arith.constant 2 : i32
      %sub3A_604 = arith.subi %add3A_602, %sub3A_603 : i32
      %jit3A = arith.constant 25 : i32
      %div3A = arith.divsi %sub3A_604, %jit3A : i32
      %sign3A = arith.constant 0 : i32
      %sign3A_605 = arith.cmpi sgt, %sub3A_604, %sign3A : i32
      %sign3A_606 = arith.extui %sign3A_605 : i1 to i32
      %sign3A_607 = arith.constant 0 : i32
      %sign3A_608 = arith.cmpi slt, %sub3A_604, %sign3A_607 : i32
      %sign3A_609 = arith.extui %sign3A_608 : i1 to i32
      %sign3A_610 = arith.subi %sign3A_606, %sign3A_609 : i32
      %sign3A_611 = arith.constant 0 : i32
      %sign3A_612 = arith.cmpi sgt, %jit3A, %sign3A_611 : i32
      %sign3A_613 = arith.extui %sign3A_612 : i1 to i32
      %sign3A_614 = arith.constant 0 : i32
      %sign3A_615 = arith.cmpi slt, %jit3A, %sign3A_614 : i32
      %sign3A_616 = arith.extui %sign3A_615 : i1 to i32
      %sign3A_617 = arith.subi %sign3A_613, %sign3A_616 : i32
      %ne3A = arith.cmpi ne, %sign3A_610, %sign3A_617 : i32
      %rem3A = arith.remsi %sub3A_604, %jit3A : i32
      %ne3A_618 = arith.constant 0 : i32
      %ne3A_619 = arith.cmpi ne, %rem3A, %ne3A_618 : i32
      %and3A_620 = arith.andi %ne3A, %ne3A_619 : i1
      %sub3A_621 = arith.constant 1 : i32
      %sub3A_622 = arith.subi %div3A, %sub3A_621 : i32
      %select_n3A = arith.select %and3A_620, %sub3A_622, %div3A : i32
      %jit3A_623 = arith.constant 25 : i32
      %eq3A = arith.constant 0 : i32
      %eq3A_624 = arith.cmpi eq, %jit3A_623, %eq3A : i32
      %jit3A_625 = arith.constant 1 : i32
      %select_n3A_626 = arith.select %eq3A_624, %jit3A_625, %jit3A_623 : i32
      %rem3A_627 = arith.remsi %sub3A_604, %select_n3A_626 : i32
      %ne3A_628 = arith.constant 0 : i32
      %ne3A_629 = arith.cmpi ne, %rem3A_627, %ne3A_628 : i32
      %lt3A_630 = arith.constant 0 : i32
      %lt3A_631 = arith.cmpi slt, %rem3A_627, %lt3A_630 : i32
      %lt3A_632 = arith.constant 0 : i32
      %lt3A_633 = arith.cmpi slt, %select_n3A_626, %lt3A_632 : i32
      %ne3A_634 = arith.xori %lt3A_631, %lt3A_633 : i1
      %and3A_635 = arith.andi %ne3A_634, %ne3A_629 : i1
      %add3A_636 = arith.addi %rem3A_627, %select_n3A_626 : i32
      %select_n3A_637 = arith.select %and3A_635, %add3A_636, %rem3A_627 : i32
      %mul3A_638 = arith.constant 40 : i32
      %mul3A_639 = arith.muli %select_n3A_637, %mul3A_638 : i32
      %dma_wait3A_640 = tpu.memref_slice %arg3[%select_n3A, %mul3A_639, %mul3A_2] : memref<20x1000x4096xf32, #tpu.memory_space<hbm>> -> memref<1x40x128xf32, #tpu.memory_space<hbm>>
      %dma_wait3A_641 = tpu.memref_squeeze %dma_wait3A_640 : memref<1x40x128xf32, #tpu.memory_space<hbm>> -> memref<40x128xf32, #tpu.memory_space<hbm>>
      %dma_wait3A_642 = tpu.memref_slice %arg3[%select_n3A, %mul3A_639, %mul3A_2] : memref<20x1000x4096xf32, #tpu.memory_space<hbm>> -> memref<1x40x128xf32, #tpu.memory_space<hbm>>
      %dma_wait3A_643 = tpu.memref_squeeze %dma_wait3A_642 : memref<1x40x128xf32, #tpu.memory_space<hbm>> -> memref<40x128xf32, #tpu.memory_space<hbm>>
      tpu.wait_dma2 semaphore(%arg7 : memref<!tpu.dma_semaphore, #tpu.memory_space<semaphore_mem>>) src(%arg5 : memref<40x128xf32, #tpu.memory_space<vmem>>) dst(%dma_wait3A_643 : memref<40x128xf32, #tpu.memory_space<hbm>>)
      %sub3A_644 = arith.constant 2 : i32
      %sub3A_645 = arith.subi %add3A_602, %sub3A_644 : i32
      %jit3A_646 = arith.constant 25 : i32
      %div3A_647 = arith.divsi %sub3A_645, %jit3A_646 : i32
      %sign3A_648 = arith.constant 0 : i32
      %sign3A_649 = arith.cmpi sgt, %sub3A_645, %sign3A_648 : i32
      %sign3A_650 = arith.extui %sign3A_649 : i1 to i32
      %sign3A_651 = arith.constant 0 : i32
      %sign3A_652 = arith.cmpi slt, %sub3A_645, %sign3A_651 : i32
      %sign3A_653 = arith.extui %sign3A_652 : i1 to i32
      %sign3A_654 = arith.subi %sign3A_650, %sign3A_653 : i32
      %sign3A_655 = arith.constant 0 : i32
      %sign3A_656 = arith.cmpi sgt, %jit3A_646, %sign3A_655 : i32
      %sign3A_657 = arith.extui %sign3A_656 : i1 to i32
      %sign3A_658 = arith.constant 0 : i32
      %sign3A_659 = arith.cmpi slt, %jit3A_646, %sign3A_658 : i32
      %sign3A_660 = arith.extui %sign3A_659 : i1 to i32
      %sign3A_661 = arith.subi %sign3A_657, %sign3A_660 : i32
      %ne3A_662 = arith.cmpi ne, %sign3A_654, %sign3A_661 : i32
      %rem3A_663 = arith.remsi %sub3A_645, %jit3A_646 : i32
      %ne3A_664 = arith.constant 0 : i32
      %ne3A_665 = arith.cmpi ne, %rem3A_663, %ne3A_664 : i32
      %and3A_666 = arith.andi %ne3A_662, %ne3A_665 : i1
      %sub3A_667 = arith.constant 1 : i32
      %sub3A_668 = arith.subi %div3A_647, %sub3A_667 : i32
      %select_n3A_669 = arith.select %and3A_666, %sub3A_668, %div3A_647 : i32
      %jit3A_670 = arith.constant 25 : i32
      %eq3A_671 = arith.constant 0 : i32
      %eq3A_672 = arith.cmpi eq, %jit3A_670, %eq3A_671 : i32
      %jit3A_673 = arith.constant 1 : i32
      %select_n3A_674 = arith.select %eq3A_672, %jit3A_673, %jit3A_670 : i32
      %rem3A_675 = arith.remsi %sub3A_645, %select_n3A_674 : i32
      %ne3A_676 = arith.constant 0 : i32
      %ne3A_677 = arith.cmpi ne, %rem3A_675, %ne3A_676 : i32
      %lt3A_678 = arith.constant 0 : i32
      %lt3A_679 = arith.cmpi slt, %rem3A_675, %lt3A_678 : i32
      %lt3A_680 = arith.constant 0 : i32
      %lt3A_681 = arith.cmpi slt, %select_n3A_674, %lt3A_680 : i32
      %ne3A_682 = arith.xori %lt3A_679, %lt3A_681 : i1
      %and3A_683 = arith.andi %ne3A_682, %ne3A_677 : i1
      %add3A_684 = arith.addi %rem3A_675, %select_n3A_674 : i32
      %select_n3A_685 = arith.select %and3A_683, %add3A_684, %rem3A_675 : i32
      %mul3A_686 = arith.constant 40 : i32
      %mul3A_687 = arith.muli %select_n3A_685, %mul3A_686 : i32
      %mul3A_688 = arith.constant 128 : i32
      %mul3A_689 = arith.muli %select_n3A_669, %mul3A_688 : i32
      %add3A_690 = arith.constant 0 : i32
      %add3A_691 = arith.addi %mul3A_689, %add3A_690 : i32
      %get3A_692 = arith.index_cast %add3A_691 : i32 to index
      %get3A_693 = tpu.vector_load %arg4[%get3A_692] {strides = array<i32>} : memref<2560xi32, #tpu.memory_space<vmem>>, vector<16xi32>,
      %sub3A_694 = vector.broadcast %mul3A_687 : i32 to vector<16xi32>
      %sub3A_695 = arith.subi %get3A_693, %sub3A_694 : vector<16xi32>
      %ge3A_696 = arith.constant 0 : i32
      %ge3A_697 = vector.broadcast %ge3A_696 : i32 to vector<16xi32>
      %ge3A_698 = arith.cmpi sge, %sub3A_695, %ge3A_697 : vector<16xi32>
      %lt3A_699 = arith.constant 40 : i32
      %lt3A_700 = vector.broadcast %lt3A_699 : i32 to vector<16xi32>
      %lt3A_701 = arith.cmpi slt, %sub3A_695, %lt3A_700 : vector<16xi32>
      %and3A_702 = arith.andi %ge3A_698, %lt3A_701 : vector<16xi1>
      %add3A_703 = arith.constant 0 : i32
      %add3A_704 = vector.broadcast %add3A_703 : i32 to vector<16xi32>
      %add3A_705 = arith.addi %iota3A, %add3A_704 : vector<16xi32>
      tpu.vector_store_idx %arg5[%sub3A_695, %add3A_705], %broadcast_in_dim3A_5 masked %and3A_702 : memref<40x128xf32, #tpu.memory_space<vmem>>[vector<16xi32>, vector<16xi32>], vector<16xf32>, vector<16xi1>
      %mul3A_706 = arith.constant 128 : i32
      %mul3A_707 = arith.muli %select_n3A_669, %mul3A_706 : i32
      %add3A_708 = arith.constant 16 : i32
      %add3A_709 = arith.addi %mul3A_707, %add3A_708 : i32
      %get3A_710 = arith.index_cast %add3A_709 : i32 to index
      %get3A_711 = tpu.vector_load %arg4[%get3A_710] {strides = array<i32>} : memref<2560xi32, #tpu.memory_space<vmem>>, vector<16xi32>,
      %sub3A_712 = vector.broadcast %mul3A_687 : i32 to vector<16xi32>
      %sub3A_713 = arith.subi %get3A_711, %sub3A_712 : vector<16xi32>
      %ge3A_714 = arith.constant 0 : i32
      %ge3A_715 = vector.broadcast %ge3A_714 : i32 to vector<16xi32>
      %ge3A_716 = arith.cmpi sge, %sub3A_713, %ge3A_715 : vector<16xi32>
      %lt3A_717 = arith.constant 40 : i32
      %lt3A_718 = vector.broadcast %lt3A_717 : i32 to vector<16xi32>
      %lt3A_719 = arith.cmpi slt, %sub3A_713, %lt3A_718 : vector<16xi32>
      %and3A_720 = arith.andi %ge3A_716, %lt3A_719 : vector<16xi1>
      %add3A_721 = arith.constant 16 : i32
      %add3A_722 = vector.broadcast %add3A_721 : i32 to vector<16xi32>
      %add3A_723 = arith.addi %iota3A, %add3A_722 : vector<16xi32>
      tpu.vector_store_idx %arg5[%sub3A_713, %add3A_723], %broadcast_in_dim3A_5 masked %and3A_720 : memref<40x128xf32, #tpu.memory_space<vmem>>[vector<16xi32>, vector<16xi32>], vector<16xf32>, vector<16xi1>
      %mul3A_724 = arith.constant 128 : i32
      %mul3A_725 = arith.muli %select_n3A_669, %mul3A_724 : i32
      %add3A_726 = arith.constant 32 : i32
      %add3A_727 = arith.addi %mul3A_725, %add3A_726 : i32
      %get3A_728 = arith.index_cast %add3A_727 : i32 to index
      %get3A_729 = tpu.vector_load %arg4[%get3A_728] {strides = array<i32>} : memref<2560xi32, #tpu.memory_space<vmem>>, vector<16xi32>,
      %sub3A_730 = vector.broadcast %mul3A_687 : i32 to vector<16xi32>
      %sub3A_731 = arith.subi %get3A_729, %sub3A_730 : vector<16xi32>
      %ge3A_732 = arith.constant 0 : i32
      %ge3A_733 = vector.broadcast %ge3A_732 : i32 to vector<16xi32>
      %ge3A_734 = arith.cmpi sge, %sub3A_731, %ge3A_733 : vector<16xi32>
      %lt3A_735 = arith.constant 40 : i32
      %lt3A_736 = vector.broadcast %lt3A_735 : i32 to vector<16xi32>
      %lt3A_737 = arith.cmpi slt, %sub3A_731, %lt3A_736 : vector<16xi32>
      %and3A_738 = arith.andi %ge3A_734, %lt3A_737 : vector<16xi1>
      %add3A_739 = arith.constant 32 : i32
      %add3A_740 = vector.broadcast %add3A_739 : i32 to vector<16xi32>
      %add3A_741 = arith.addi %iota3A, %add3A_740 : vector<16xi32>
      tpu.vector_store_idx %arg5[%sub3A_731, %add3A_741], %broadcast_in_dim3A_5 masked %and3A_738 : memref<40x128xf32, #tpu.memory_space<vmem>>[vector<16xi32>, vector<16xi32>], vector<16xf32>, vector<16xi1>
      %mul3A_742 = arith.constant 128 : i32
      %mul3A_743 = arith.muli %select_n3A_669, %mul3A_742 : i32
      %add3A_744 = arith.constant 48 : i32
      %add3A_745 = arith.addi %mul3A_743, %add3A_744 : i32
      %get3A_746 = arith.index_cast %add3A_745 : i32 to index
      %get3A_747 = tpu.vector_load %arg4[%get3A_746] {strides = array<i32>} : memref<2560xi32, #tpu.memory_space<vmem>>, vector<16xi32>,
      %sub3A_748 = vector.broadcast %mul3A_687 : i32 to vector<16xi32>
      %sub3A_749 = arith.subi %get3A_747, %sub3A_748 : vector<16xi32>
      %ge3A_750 = arith.constant 0 : i32
      %ge3A_751 = vector.broadcast %ge3A_750 : i32 to vector<16xi32>
      %ge3A_752 = arith.cmpi sge, %sub3A_749, %ge3A_751 : vector<16xi32>
      %lt3A_753 = arith.constant 40 : i32
      %lt3A_754 = vector.broadcast %lt3A_753 : i32 to vector<16xi32>
      %lt3A_755 = arith.cmpi slt, %sub3A_749, %lt3A_754 : vector<16xi32>
      %and3A_756 = arith.andi %ge3A_752, %lt3A_755 : vector<16xi1>
      %add3A_757 = arith.constant 48 : i32
      %add3A_758 = vector.broadcast %add3A_757 : i32 to vector<16xi32>
      %add3A_759 = arith.addi %iota3A, %add3A_758 : vector<16xi32>
      tpu.vector_store_idx %arg5[%sub3A_749, %add3A_759], %broadcast_in_dim3A_5 masked %and3A_756 : memref<40x128xf32, #tpu.memory_space<vmem>>[vector<16xi32>, vector<16xi32>], vector<16xf32>, vector<16xi1>
      %mul3A_760 = arith.constant 128 : i32
      %mul3A_761 = arith.muli %select_n3A_669, %mul3A_760 : i32
      %add3A_762 = arith.constant 64 : i32
      %add3A_763 = arith.addi %mul3A_761, %add3A_762 : i32
      %get3A_764 = arith.index_cast %add3A_763 : i32 to index
      %get3A_765 = tpu.vector_load %arg4[%get3A_764] {strides = array<i32>} : memref<2560xi32, #tpu.memory_space<vmem>>, vector<16xi32>,
      %sub3A_766 = vector.broadcast %mul3A_687 : i32 to vector<16xi32>
      %sub3A_767 = arith.subi %get3A_765, %sub3A_766 : vector<16xi32>
      %ge3A_768 = arith.constant 0 : i32
      %ge3A_769 = vector.broadcast %ge3A_768 : i32 to vector<16xi32>
      %ge3A_770 = arith.cmpi sge, %sub3A_767, %ge3A_769 : vector<16xi32>
      %lt3A_771 = arith.constant 40 : i32
      %lt3A_772 = vector.broadcast %lt3A_771 : i32 to vector<16xi32>
      %lt3A_773 = arith.cmpi slt, %sub3A_767, %lt3A_772 : vector<16xi32>
      %and3A_774 = arith.andi %ge3A_770, %lt3A_773 : vector<16xi1>
      %add3A_775 = arith.constant 64 : i32
      %add3A_776 = vector.broadcast %add3A_775 : i32 to vector<16xi32>
      %add3A_777 = arith.addi %iota3A, %add3A_776 : vector<16xi32>
      tpu.vector_store_idx %arg5[%sub3A_767, %add3A_777], %broadcast_in_dim3A_5 masked %and3A_774 : memref<40x128xf32, #tpu.memory_space<vmem>>[vector<16xi32>, vector<16xi32>], vector<16xf32>, vector<16xi1>
      %mul3A_778 = arith.constant 128 : i32
      %mul3A_779 = arith.muli %select_n3A_669, %mul3A_778 : i32
      %add3A_780 = arith.constant 80 : i32
      %add3A_781 = arith.addi %mul3A_779, %add3A_780 : i32
      %get3A_782 = arith.index_cast %add3A_781 : i32 to index
      %get3A_783 = tpu.vector_load %arg4[%get3A_782] {strides = array<i32>} : memref<2560xi32, #tpu.memory_space<vmem>>, vector<16xi32>,
      %sub3A_784 = vector.broadcast %mul3A_687 : i32 to vector<16xi32>
      %sub3A_785 = arith.subi %get3A_783, %sub3A_784 : vector<16xi32>
      %ge3A_786 = arith.constant 0 : i32
      %ge3A_787 = vector.broadcast %ge3A_786 : i32 to vector<16xi32>
      %ge3A_788 = arith.cmpi sge, %sub3A_785, %ge3A_787 : vector<16xi32>
      %lt3A_789 = arith.constant 40 : i32
      %lt3A_790 = vector.broadcast %lt3A_789 : i32 to vector<16xi32>
      %lt3A_791 = arith.cmpi slt, %sub3A_785, %lt3A_790 : vector<16xi32>
      %and3A_792 = arith.andi %ge3A_788, %lt3A_791 : vector<16xi1>
      %add3A_793 = arith.constant 80 : i32
      %add3A_794 = vector.broadcast %add3A_793 : i32 to vector<16xi32>
      %add3A_795 = arith.addi %iota3A, %add3A_794 : vector<16xi32>
      tpu.vector_store_idx %arg5[%sub3A_785, %add3A_795], %broadcast_in_dim3A_5 masked %and3A_792 : memref<40x128xf32, #tpu.memory_space<vmem>>[vector<16xi32>, vector<16xi32>], vector<16xf32>, vector<16xi1>
      %mul3A_796 = arith.constant 128 : i32
      %mul3A_797 = arith.muli %select_n3A_669, %mul3A_796 : i32
      %add3A_798 = arith.constant 96 : i32
      %add3A_799 = arith.addi %mul3A_797, %add3A_798 : i32
      %get3A_800 = arith.index_cast %add3A_799 : i32 to index
      %get3A_801 = tpu.vector_load %arg4[%get3A_800] {strides = array<i32>} : memref<2560xi32, #tpu.memory_space<vmem>>, vector<16xi32>,
      %sub3A_802 = vector.broadcast %mul3A_687 : i32 to vector<16xi32>
      %sub3A_803 = arith.subi %get3A_801, %sub3A_802 : vector<16xi32>
      %ge3A_804 = arith.constant 0 : i32
      %ge3A_805 = vector.broadcast %ge3A_804 : i32 to vector<16xi32>
      %ge3A_806 = arith.cmpi sge, %sub3A_803, %ge3A_805 : vector<16xi32>
      %lt3A_807 = arith.constant 40 : i32
      %lt3A_808 = vector.broadcast %lt3A_807 : i32 to vector<16xi32>
      %lt3A_809 = arith.cmpi slt, %sub3A_803, %lt3A_808 : vector<16xi32>
      %and3A_810 = arith.andi %ge3A_806, %lt3A_809 : vector<16xi1>
      %add3A_811 = arith.constant 96 : i32
      %add3A_812 = vector.broadcast %add3A_811 : i32 to vector<16xi32>
      %add3A_813 = arith.addi %iota3A, %add3A_812 : vector<16xi32>
      tpu.vector_store_idx %arg5[%sub3A_803, %add3A_813], %broadcast_in_dim3A_5 masked %and3A_810 : memref<40x128xf32, #tpu.memory_space<vmem>>[vector<16xi32>, vector<16xi32>], vector<16xf32>, vector<16xi1>
      %mul3A_814 = arith.constant 128 : i32
      %mul3A_815 = arith.muli %select_n3A_669, %mul3A_814 : i32
      %add3A_816 = arith.constant 112 : i32
      %add3A_817 = arith.addi %mul3A_815, %add3A_816 : i32
      %get3A_818 = arith.index_cast %add3A_817 : i32 to index
      %get3A_819 = tpu.vector_load %arg4[%get3A_818] {strides = array<i32>} : memref<2560xi32, #tpu.memory_space<vmem>>, vector<16xi32>,
      %sub3A_820 = vector.broadcast %mul3A_687 : i32 to vector<16xi32>
      %sub3A_821 = arith.subi %get3A_819, %sub3A_820 : vector<16xi32>
      %ge3A_822 = arith.constant 0 : i32
      %ge3A_823 = vector.broadcast %ge3A_822 : i32 to vector<16xi32>
      %ge3A_824 = arith.cmpi sge, %sub3A_821, %ge3A_823 : vector<16xi32>
      %lt3A_825 = arith.constant 40 : i32
      %lt3A_826 = vector.broadcast %lt3A_825 : i32 to vector<16xi32>
      %lt3A_827 = arith.cmpi slt, %sub3A_821, %lt3A_826 : vector<16xi32>
      %and3A_828 = arith.andi %ge3A_824, %lt3A_827 : vector<16xi1>
      %add3A_829 = arith.constant 112 : i32
      %add3A_830 = vector.broadcast %add3A_829 : i32 to vector<16xi32>
      %add3A_831 = arith.addi %iota3A, %add3A_830 : vector<16xi32>
      tpu.vector_store_idx %arg5[%sub3A_821, %add3A_831], %broadcast_in_dim3A_5 masked %and3A_828 : memref<40x128xf32, #tpu.memory_space<vmem>>[vector<16xi32>, vector<16xi32>], vector<16xf32>, vector<16xi1>
      %jit3A_832 = arith.constant 25 : i32
      %div3A_833 = arith.divsi %add3A_602, %jit3A_832 : i32
      %sign3A_834 = arith.constant 0 : i32
      %sign3A_835 = arith.cmpi sgt, %add3A_602, %sign3A_834 : i32
      %sign3A_836 = arith.extui %sign3A_835 : i1 to i32
      %sign3A_837 = arith.constant 0 : i32
      %sign3A_838 = arith.cmpi slt, %add3A_602, %sign3A_837 : i32
      %sign3A_839 = arith.extui %sign3A_838 : i1 to i32
      %sign3A_840 = arith.subi %sign3A_836, %sign3A_839 : i32
      %sign3A_841 = arith.constant 0 : i32
      %sign3A_842 = arith.cmpi sgt, %jit3A_832, %sign3A_841 : i32
      %sign3A_843 = arith.extui %sign3A_842 : i1 to i32
      %sign3A_844 = arith.constant 0 : i32
      %sign3A_845 = arith.cmpi slt, %jit3A_832, %sign3A_844 : i32
      %sign3A_846 = arith.extui %sign3A_845 : i1 to i32
      %sign3A_847 = arith.subi %sign3A_843, %sign3A_846 : i32
      %ne3A_848 = arith.cmpi ne, %sign3A_840, %sign3A_847 : i32
      %rem3A_849 = arith.remsi %add3A_602, %jit3A_832 : i32
      %ne3A_850 = arith.constant 0 : i32
      %ne3A_851 = arith.cmpi ne, %rem3A_849, %ne3A_850 : i32
      %and3A_852 = arith.andi %ne3A_848, %ne3A_851 : i1
      %sub3A_853 = arith.constant 1 : i32
      %sub3A_854 = arith.subi %div3A_833, %sub3A_853 : i32
      %select_n3A_855 = arith.select %and3A_852, %sub3A_854, %div3A_833 : i32
      %jit3A_856 = arith.constant 25 : i32
      %eq3A_857 = arith.constant 0 : i32
      %eq3A_858 = arith.cmpi eq, %jit3A_856, %eq3A_857 : i32
      %jit3A_859 = arith.constant 1 : i32
      %select_n3A_860 = arith.select %eq3A_858, %jit3A_859, %jit3A_856 : i32
      %rem3A_861 = arith.remsi %add3A_602, %select_n3A_860 : i32
      %ne3A_862 = arith.constant 0 : i32
      %ne3A_863 = arith.cmpi ne, %rem3A_861, %ne3A_862 : i32
      %lt3A_864 = arith.constant 0 : i32
      %lt3A_865 = arith.cmpi slt, %rem3A_861, %lt3A_864 : i32
      %lt3A_866 = arith.constant 0 : i32
      %lt3A_867 = arith.cmpi slt, %select_n3A_860, %lt3A_866 : i32
      %ne3A_868 = arith.xori %lt3A_865, %lt3A_867 : i1
      %and3A_869 = arith.andi %ne3A_868, %ne3A_863 : i1
      %add3A_870 = arith.addi %rem3A_861, %select_n3A_860 : i32
      %select_n3A_871 = arith.select %and3A_869, %add3A_870, %rem3A_861 : i32
      %mul3A_872 = arith.constant 40 : i32
      %mul3A_873 = arith.muli %select_n3A_871, %mul3A_872 : i32
      %mul3A_874 = arith.constant 128 : i32
      %mul3A_875 = arith.muli %select_n3A_855, %mul3A_874 : i32
      %add3A_876 = arith.constant 0 : i32
      %add3A_877 = arith.addi %mul3A_875, %add3A_876 : i32
      %get3A_878 = arith.index_cast %add3A_877 : i32 to index
      %get3A_879 = tpu.vector_load %arg4[%get3A_878] {strides = array<i32>} : memref<2560xi32, #tpu.memory_space<vmem>>, vector<16xi32>,
      %sub3A_880 = vector.broadcast %mul3A_873 : i32 to vector<16xi32>
      %sub3A_881 = arith.subi %get3A_879, %sub3A_880 : vector<16xi32>
      %ge3A_882 = arith.constant 0 : i32
      %ge3A_883 = vector.broadcast %ge3A_882 : i32 to vector<16xi32>
      %ge3A_884 = arith.cmpi sge, %sub3A_881, %ge3A_883 : vector<16xi32>
      %lt3A_885 = arith.constant 40 : i32
      %lt3A_886 = vector.broadcast %lt3A_885 : i32 to vector<16xi32>
      %lt3A_887 = arith.cmpi slt, %sub3A_881, %lt3A_886 : vector<16xi32>
      %and3A_888 = arith.andi %ge3A_884, %lt3A_887 : vector<16xi1>
      %add3A_889 = arith.constant 0 : i32
      %add3A_890 = vector.broadcast %add3A_889 : i32 to vector<16xi32>
      %add3A_891 = arith.addi %iota3A, %add3A_890 : vector<16xi32>
      tpu.vector_store_idx %arg5[%sub3A_881, %add3A_891], %broadcast_in_dim3A_3 masked %and3A_888 : memref<40x128xf32, #tpu.memory_space<vmem>>[vector<16xi32>, vector<16xi32>], vector<16xf32>, vector<16xi1>
      %mul3A_892 = arith.constant 128 : i32
      %mul3A_893 = arith.muli %select_n3A_855, %mul3A_892 : i32
      %add3A_894 = arith.constant 16 : i32
      %add3A_895 = arith.addi %mul3A_893, %add3A_894 : i32
      %get3A_896 = arith.index_cast %add3A_895 : i32 to index
      %get3A_897 = tpu.vector_load %arg4[%get3A_896] {strides = array<i32>} : memref<2560xi32, #tpu.memory_space<vmem>>, vector<16xi32>,
      %sub3A_898 = vector.broadcast %mul3A_873 : i32 to vector<16xi32>
      %sub3A_899 = arith.subi %get3A_897, %sub3A_898 : vector<16xi32>
      %ge3A_900 = arith.constant 0 : i32
      %ge3A_901 = vector.broadcast %ge3A_900 : i32 to vector<16xi32>
      %ge3A_902 = arith.cmpi sge, %sub3A_899, %ge3A_901 : vector<16xi32>
      %lt3A_903 = arith.constant 40 : i32
      %lt3A_904 = vector.broadcast %lt3A_903 : i32 to vector<16xi32>
      %lt3A_905 = arith.cmpi slt, %sub3A_899, %lt3A_904 : vector<16xi32>
      %and3A_906 = arith.andi %ge3A_902, %lt3A_905 : vector<16xi1>
      %add3A_907 = arith.constant 16 : i32
      %add3A_908 = vector.broadcast %add3A_907 : i32 to vector<16xi32>
      %add3A_909 = arith.addi %iota3A, %add3A_908 : vector<16xi32>
      tpu.vector_store_idx %arg5[%sub3A_899, %add3A_909], %broadcast_in_dim3A_3 masked %and3A_906 : memref<40x128xf32, #tpu.memory_space<vmem>>[vector<16xi32>, vector<16xi32>], vector<16xf32>, vector<16xi1>
      %mul3A_910 = arith.constant 128 : i32
      %mul3A_911 = arith.muli %select_n3A_855, %mul3A_910 : i32
      %add3A_912 = arith.constant 32 : i32
      %add3A_913 = arith.addi %mul3A_911, %add3A_912 : i32
      %get3A_914 = arith.index_cast %add3A_913 : i32 to index
      %get3A_915 = tpu.vector_load %arg4[%get3A_914] {strides = array<i32>} : memref<2560xi32, #tpu.memory_space<vmem>>, vector<16xi32>,
      %sub3A_916 = vector.broadcast %mul3A_873 : i32 to vector<16xi32>
      %sub3A_917 = arith.subi %get3A_915, %sub3A_916 : vector<16xi32>
      %ge3A_918 = arith.constant 0 : i32
      %ge3A_919 = vector.broadcast %ge3A_918 : i32 to vector<16xi32>
      %ge3A_920 = arith.cmpi sge, %sub3A_917, %ge3A_919 : vector<16xi32>
      %lt3A_921 = arith.constant 40 : i32
      %lt3A_922 = vector.broadcast %lt3A_921 : i32 to vector<16xi32>
      %lt3A_923 = arith.cmpi slt, %sub3A_917, %lt3A_922 : vector<16xi32>
      %and3A_924 = arith.andi %ge3A_920, %lt3A_923 : vector<16xi1>
      %add3A_925 = arith.constant 32 : i32
      %add3A_926 = vector.broadcast %add3A_925 : i32 to vector<16xi32>
      %add3A_927 = arith.addi %iota3A, %add3A_926 : vector<16xi32>
      tpu.vector_store_idx %arg5[%sub3A_917, %add3A_927], %broadcast_in_dim3A_3 masked %and3A_924 : memref<40x128xf32, #tpu.memory_space<vmem>>[vector<16xi32>, vector<16xi32>], vector<16xf32>, vector<16xi1>
      %mul3A_928 = arith.constant 128 : i32
      %mul3A_929 = arith.muli %select_n3A_855, %mul3A_928 : i32
      %add3A_930 = arith.constant 48 : i32
      %add3A_931 = arith.addi %mul3A_929, %add3A_930 : i32
      %get3A_932 = arith.index_cast %add3A_931 : i32 to index
      %get3A_933 = tpu.vector_load %arg4[%get3A_932] {strides = array<i32>} : memref<2560xi32, #tpu.memory_space<vmem>>, vector<16xi32>,
      %sub3A_934 = vector.broadcast %mul3A_873 : i32 to vector<16xi32>
      %sub3A_935 = arith.subi %get3A_933, %sub3A_934 : vector<16xi32>
      %ge3A_936 = arith.constant 0 : i32
      %ge3A_937 = vector.broadcast %ge3A_936 : i32 to vector<16xi32>
      %ge3A_938 = arith.cmpi sge, %sub3A_935, %ge3A_937 : vector<16xi32>
      %lt3A_939 = arith.constant 40 : i32
      %lt3A_940 = vector.broadcast %lt3A_939 : i32 to vector<16xi32>
      %lt3A_941 = arith.cmpi slt, %sub3A_935, %lt3A_940 : vector<16xi32>
      %and3A_942 = arith.andi %ge3A_938, %lt3A_941 : vector<16xi1>
      %add3A_943 = arith.constant 48 : i32
      %add3A_944 = vector.broadcast %add3A_943 : i32 to vector<16xi32>
      %add3A_945 = arith.addi %iota3A, %add3A_944 : vector<16xi32>
      tpu.vector_store_idx %arg5[%sub3A_935, %add3A_945], %broadcast_in_dim3A_3 masked %and3A_942 : memref<40x128xf32, #tpu.memory_space<vmem>>[vector<16xi32>, vector<16xi32>], vector<16xf32>, vector<16xi1>
      %mul3A_946 = arith.constant 128 : i32
      %mul3A_947 = arith.muli %select_n3A_855, %mul3A_946 : i32
      %add3A_948 = arith.constant 64 : i32
      %add3A_949 = arith.addi %mul3A_947, %add3A_948 : i32
      %get3A_950 = arith.index_cast %add3A_949 : i32 to index
      %get3A_951 = tpu.vector_load %arg4[%get3A_950] {strides = array<i32>} : memref<2560xi32, #tpu.memory_space<vmem>>, vector<16xi32>,
      %sub3A_952 = vector.broadcast %mul3A_873 : i32 to vector<16xi32>
      %sub3A_953 = arith.subi %get3A_951, %sub3A_952 : vector<16xi32>
      %ge3A_954 = arith.constant 0 : i32
      %ge3A_955 = vector.broadcast %ge3A_954 : i32 to vector<16xi32>
      %ge3A_956 = arith.cmpi sge, %sub3A_953, %ge3A_955 : vector<16xi32>
      %lt3A_957 = arith.constant 40 : i32
      %lt3A_958 = vector.broadcast %lt3A_957 : i32 to vector<16xi32>
      %lt3A_959 = arith.cmpi slt, %sub3A_953, %lt3A_958 : vector<16xi32>
      %and3A_960 = arith.andi %ge3A_956, %lt3A_959 : vector<16xi1>
      %add3A_961 = arith.constant 64 : i32
      %add3A_962 = vector.broadcast %add3A_961 : i32 to vector<16xi32>
      %add3A_963 = arith.addi %iota3A, %add3A_962 : vector<16xi32>
      tpu.vector_store_idx %arg5[%sub3A_953, %add3A_963], %broadcast_in_dim3A_3 masked %and3A_960 : memref<40x128xf32, #tpu.memory_space<vmem>>[vector<16xi32>, vector<16xi32>], vector<16xf32>, vector<16xi1>
      %mul3A_964 = arith.constant 128 : i32
      %mul3A_965 = arith.muli %select_n3A_855, %mul3A_964 : i32
      %add3A_966 = arith.constant 80 : i32
      %add3A_967 = arith.addi %mul3A_965, %add3A_966 : i32
      %get3A_968 = arith.index_cast %add3A_967 : i32 to index
      %get3A_969 = tpu.vector_load %arg4[%get3A_968] {strides = array<i32>} : memref<2560xi32, #tpu.memory_space<vmem>>, vector<16xi32>,
      %sub3A_970 = vector.broadcast %mul3A_873 : i32 to vector<16xi32>
      %sub3A_971 = arith.subi %get3A_969, %sub3A_970 : vector<16xi32>
      %ge3A_972 = arith.constant 0 : i32
      %ge3A_973 = vector.broadcast %ge3A_972 : i32 to vector<16xi32>
      %ge3A_974 = arith.cmpi sge, %sub3A_971, %ge3A_973 : vector<16xi32>
      %lt3A_975 = arith.constant 40 : i32
      %lt3A_976 = vector.broadcast %lt3A_975 : i32 to vector<16xi32>
      %lt3A_977 = arith.cmpi slt, %sub3A_971, %lt3A_976 : vector<16xi32>
      %and3A_978 = arith.andi %ge3A_974, %lt3A_977 : vector<16xi1>
      %add3A_979 = arith.constant 80 : i32
      %add3A_980 = vector.broadcast %add3A_979 : i32 to vector<16xi32>
      %add3A_981 = arith.addi %iota3A, %add3A_980 : vector<16xi32>
      tpu.vector_store_idx %arg5[%sub3A_971, %add3A_981], %broadcast_in_dim3A_3 masked %and3A_978 : memref<40x128xf32, #tpu.memory_space<vmem>>[vector<16xi32>, vector<16xi32>], vector<16xf32>, vector<16xi1>
      %mul3A_982 = arith.constant 128 : i32
      %mul3A_983 = arith.muli %select_n3A_855, %mul3A_982 : i32
      %add3A_984 = arith.constant 96 : i32
      %add3A_985 = arith.addi %mul3A_983, %add3A_984 : i32
      %get3A_986 = arith.index_cast %add3A_985 : i32 to index
      %get3A_987 = tpu.vector_load %arg4[%get3A_986] {strides = array<i32>} : memref<2560xi32, #tpu.memory_space<vmem>>, vector<16xi32>,
      %sub3A_988 = vector.broadcast %mul3A_873 : i32 to vector<16xi32>
      %sub3A_989 = arith.subi %get3A_987, %sub3A_988 : vector<16xi32>
      %ge3A_990 = arith.constant 0 : i32
      %ge3A_991 = vector.broadcast %ge3A_990 : i32 to vector<16xi32>
      %ge3A_992 = arith.cmpi sge, %sub3A_989, %ge3A_991 : vector<16xi32>
      %lt3A_993 = arith.constant 40 : i32
      %lt3A_994 = vector.broadcast %lt3A_993 : i32 to vector<16xi32>
      %lt3A_995 = arith.cmpi slt, %sub3A_989, %lt3A_994 : vector<16xi32>
      %and3A_996 = arith.andi %ge3A_992, %lt3A_995 : vector<16xi1>
      %add3A_997 = arith.constant 96 : i32
      %add3A_998 = vector.broadcast %add3A_997 : i32 to vector<16xi32>
      %add3A_999 = arith.addi %iota3A, %add3A_998 : vector<16xi32>
      tpu.vector_store_idx %arg5[%sub3A_989, %add3A_999], %broadcast_in_dim3A_3 masked %and3A_996 : memref<40x128xf32, #tpu.memory_space<vmem>>[vector<16xi32>, vector<16xi32>], vector<16xf32>, vector<16xi1>
      %mul3A_1000 = arith.constant 128 : i32
      %mul3A_1001 = arith.muli %select_n3A_855, %mul3A_1000 : i32
      %add3A_1002 = arith.constant 112 : i32
      %add3A_1003 = arith.addi %mul3A_1001, %add3A_1002 : i32
      %get3A_1004 = arith.index_cast %add3A_1003 : i32 to index
      %get3A_1005 = tpu.vector_load %arg4[%get3A_1004] {strides = array<i32>} : memref<2560xi32, #tpu.memory_space<vmem>>, vector<16xi32>,
      %sub3A_1006 = vector.broadcast %mul3A_873 : i32 to vector<16xi32>
      %sub3A_1007 = arith.subi %get3A_1005, %sub3A_1006 : vector<16xi32>
      %ge3A_1008 = arith.constant 0 : i32
      %ge3A_1009 = vector.broadcast %ge3A_1008 : i32 to vector<16xi32>
      %ge3A_1010 = arith.cmpi sge, %sub3A_1007, %ge3A_1009 : vector<16xi32>
      %lt3A_1011 = arith.constant 40 : i32
      %lt3A_1012 = vector.broadcast %lt3A_1011 : i32 to vector<16xi32>
      %lt3A_1013 = arith.cmpi slt, %sub3A_1007, %lt3A_1012 : vector<16xi32>
      %and3A_1014 = arith.andi %ge3A_1010, %lt3A_1013 : vector<16xi1>
      %add3A_1015 = arith.constant 112 : i32
      %add3A_1016 = vector.broadcast %add3A_1015 : i32 to vector<16xi32>
      %add3A_1017 = arith.addi %iota3A, %add3A_1016 : vector<16xi32>
      tpu.vector_store_idx %arg5[%sub3A_1007, %add3A_1017], %broadcast_in_dim3A_3 masked %and3A_1014 : memref<40x128xf32, #tpu.memory_space<vmem>>[vector<16xi32>, vector<16xi32>], vector<16xf32>, vector<16xi1>
      %jit3A_1018 = arith.constant 25 : i32
      %div3A_1019 = arith.divsi %add3A_602, %jit3A_1018 : i32
      %sign3A_1020 = arith.constant 0 : i32
      %sign3A_1021 = arith.cmpi sgt, %add3A_602, %sign3A_1020 : i32
      %sign3A_1022 = arith.extui %sign3A_1021 : i1 to i32
      %sign3A_1023 = arith.constant 0 : i32
      %sign3A_1024 = arith.cmpi slt, %add3A_602, %sign3A_1023 : i32
      %sign3A_1025 = arith.extui %sign3A_1024 : i1 to i32
      %sign3A_1026 = arith.subi %sign3A_1022, %sign3A_1025 : i32
      %sign3A_1027 = arith.constant 0 : i32
      %sign3A_1028 = arith.cmpi sgt, %jit3A_1018, %sign3A_1027 : i32
      %sign3A_1029 = arith.extui %sign3A_1028 : i1 to i32
      %sign3A_1030 = arith.constant 0 : i32
      %sign3A_1031 = arith.cmpi slt, %jit3A_1018, %sign3A_1030 : i32
      %sign3A_1032 = arith.extui %sign3A_1031 : i1 to i32
      %sign3A_1033 = arith.subi %sign3A_1029, %sign3A_1032 : i32
      %ne3A_1034 = arith.cmpi ne, %sign3A_1026, %sign3A_1033 : i32
      %rem3A_1035 = arith.remsi %add3A_602, %jit3A_1018 : i32
      %ne3A_1036 = arith.constant 0 : i32
      %ne3A_1037 = arith.cmpi ne, %rem3A_1035, %ne3A_1036 : i32
      %and3A_1038 = arith.andi %ne3A_1034, %ne3A_1037 : i1
      %sub3A_1039 = arith.constant 1 : i32
      %sub3A_1040 = arith.subi %div3A_1019, %sub3A_1039 : i32
      %select_n3A_1041 = arith.select %and3A_1038, %sub3A_1040, %div3A_1019 : i32
      %jit3A_1042 = arith.constant 25 : i32
      %eq3A_1043 = arith.constant 0 : i32
      %eq3A_1044 = arith.cmpi eq, %jit3A_1042, %eq3A_1043 : i32
      %jit3A_1045 = arith.constant 1 : i32
      %select_n3A_1046 = arith.select %eq3A_1044, %jit3A_1045, %jit3A_1042 : i32
      %rem3A_1047 = arith.remsi %add3A_602, %select_n3A_1046 : i32
      %ne3A_1048 = arith.constant 0 : i32
      %ne3A_1049 = arith.cmpi ne, %rem3A_1047, %ne3A_1048 : i32
      %lt3A_1050 = arith.constant 0 : i32
      %lt3A_1051 = arith.cmpi slt, %rem3A_1047, %lt3A_1050 : i32
      %lt3A_1052 = arith.constant 0 : i32
      %lt3A_1053 = arith.cmpi slt, %select_n3A_1046, %lt3A_1052 : i32
      %ne3A_1054 = arith.xori %lt3A_1051, %lt3A_1053 : i1
      %and3A_1055 = arith.andi %ne3A_1054, %ne3A_1049 : i1
      %add3A_1056 = arith.addi %rem3A_1047, %select_n3A_1046 : i32
      %select_n3A_1057 = arith.select %and3A_1055, %add3A_1056, %rem3A_1047 : i32
      %mul3A_1058 = arith.constant 40 : i32
      %mul3A_1059 = arith.muli %select_n3A_1057, %mul3A_1058 : i32
      %dma_start3A_1060 = tpu.memref_slice %arg3[%select_n3A_1041, %mul3A_1059, %mul3A_2] : memref<20x1000x4096xf32, #tpu.memory_space<hbm>> -> memref<1x40x128xf32, #tpu.memory_space<hbm>>
      %dma_start3A_1061 = tpu.memref_squeeze %dma_start3A_1060 : memref<1x40x128xf32, #tpu.memory_space<hbm>> -> memref<40x128xf32, #tpu.memory_space<hbm>>
      %dma_start3A_1062 = tpu.memref_slice %arg3[%select_n3A_1041, %mul3A_1059, %mul3A_2] : memref<20x1000x4096xf32, #tpu.memory_space<hbm>> -> memref<1x40x128xf32, #tpu.memory_space<hbm>>
      %dma_start3A_1063 = tpu.memref_squeeze %dma_start3A_1062 : memref<1x40x128xf32, #tpu.memory_space<hbm>> -> memref<40x128xf32, #tpu.memory_space<hbm>>
      tpu.enqueue_dma source(%arg5 : memref<40x128xf32, #tpu.memory_space<vmem>>) target(%dma_start3A_1063 : memref<40x128xf32, #tpu.memory_space<hbm>>) target_semaphore(%arg7 : memref<!tpu.dma_semaphore, #tpu.memory_space<semaphore_mem>>)
      %mul3A_1064 = arith.constant 2 : i32
      %mul3A_1065 = arith.muli %scan3A_598, %mul3A_1064 : i32
      %add3A_1066 = arith.constant 1 : i32
      %add3A_1067 = arith.addi %mul3A_1065, %add3A_1066 : i32
      %sub3A_1068 = arith.constant 2 : i32
      %sub3A_1069 = arith.subi %add3A_1067, %sub3A_1068 : i32
      %jit3A_1070 = arith.constant 25 : i32
      %div3A_1071 = arith.divsi %sub3A_1069, %jit3A_1070 : i32
      %sign3A_1072 = arith.constant 0 : i32
      %sign3A_1073 = arith.cmpi sgt, %sub3A_1069, %sign3A_1072 : i32
      %sign3A_1074 = arith.extui %sign3A_1073 : i1 to i32
      %sign3A_1075 = arith.constant 0 : i32
      %sign3A_1076 = arith.cmpi slt, %sub3A_1069, %sign3A_1075 : i32
      %sign3A_1077 = arith.extui %sign3A_1076 : i1 to i32
      %sign3A_1078 = arith.subi %sign3A_1074, %sign3A_1077 : i32
      %sign3A_1079 = arith.constant 0 : i32
      %sign3A_1080 = arith.cmpi sgt, %jit3A_1070, %sign3A_1079 : i32
      %sign3A_1081 = arith.extui %sign3A_1080 : i1 to i32
      %sign3A_1082 = arith.constant 0 : i32
      %sign3A_1083 = arith.cmpi slt, %jit3A_1070, %sign3A_1082 : i32
      %sign3A_1084 = arith.extui %sign3A_1083 : i1 to i32
      %sign3A_1085 = arith.subi %sign3A_1081, %sign3A_1084 : i32
      %ne3A_1086 = arith.cmpi ne, %sign3A_1078, %sign3A_1085 : i32
      %rem3A_1087 = arith.remsi %sub3A_1069, %jit3A_1070 : i32
      %ne3A_1088 = arith.constant 0 : i32
      %ne3A_1089 = arith.cmpi ne, %rem3A_1087, %ne3A_1088 : i32
      %and3A_1090 = arith.andi %ne3A_1086, %ne3A_1089 : i1
      %sub3A_1091 = arith.constant 1 : i32
      %sub3A_1092 = arith.subi %div3A_1071, %sub3A_1091 : i32
      %select_n3A_1093 = arith.select %and3A_1090, %sub3A_1092, %div3A_1071 : i32
      %jit3A_1094 = arith.constant 25 : i32
      %eq3A_1095 = arith.constant 0 : i32
      %eq3A_1096 = arith.cmpi eq, %jit3A_1094, %eq3A_1095 : i32
      %jit3A_1097 = arith.constant 1 : i32
      %select_n3A_1098 = arith.select %eq3A_1096, %jit3A_1097, %jit3A_1094 : i32
      %rem3A_1099 = arith.remsi %sub3A_1069, %select_n3A_1098 : i32
      %ne3A_1100 = arith.constant 0 : i32
      %ne3A_1101 = arith.cmpi ne, %rem3A_1099, %ne3A_1100 : i32
      %lt3A_1102 = arith.constant 0 : i32
      %lt3A_1103 = arith.cmpi slt, %rem3A_1099, %lt3A_1102 : i32
      %lt3A_1104 = arith.constant 0 : i32
      %lt3A_1105 = arith.cmpi slt, %select_n3A_1098, %lt3A_1104 : i32
      %ne3A_1106 = arith.xori %lt3A_1103, %lt3A_1105 : i1
      %and3A_1107 = arith.andi %ne3A_1106, %ne3A_1101 : i1
      %add3A_1108 = arith.addi %rem3A_1099, %select_n3A_1098 : i32
      %select_n3A_1109 = arith.select %and3A_1107, %add3A_1108, %rem3A_1099 : i32
      %mul3A_1110 = arith.constant 40 : i32
      %mul3A_1111 = arith.muli %select_n3A_1109, %mul3A_1110 : i32
      %dma_wait3A_1112 = tpu.memref_slice %arg3[%select_n3A_1093, %mul3A_1111, %mul3A_2] : memref<20x1000x4096xf32, #tpu.memory_space<hbm>> -> memref<1x40x128xf32, #tpu.memory_space<hbm>>
      %dma_wait3A_1113 = tpu.memref_squeeze %dma_wait3A_1112 : memref<1x40x128xf32, #tpu.memory_space<hbm>> -> memref<40x128xf32, #tpu.memory_space<hbm>>
      %dma_wait3A_1114 = tpu.memref_slice %arg3[%select_n3A_1093, %mul3A_1111, %mul3A_2] : memref<20x1000x4096xf32, #tpu.memory_space<hbm>> -> memref<1x40x128xf32, #tpu.memory_space<hbm>>
      %dma_wait3A_1115 = tpu.memref_squeeze %dma_wait3A_1114 : memref<1x40x128xf32, #tpu.memory_space<hbm>> -> memref<40x128xf32, #tpu.memory_space<hbm>>
      tpu.wait_dma2 semaphore(%arg8 : memref<!tpu.dma_semaphore, #tpu.memory_space<semaphore_mem>>) src(%arg6 : memref<40x128xf32, #tpu.memory_space<vmem>>) dst(%dma_wait3A_1115 : memref<40x128xf32, #tpu.memory_space<hbm>>)
      %sub3A_1116 = arith.constant 2 : i32
      %sub3A_1117 = arith.subi %add3A_1067, %sub3A_1116 : i32
      %jit3A_1118 = arith.constant 25 : i32
      %div3A_1119 = arith.divsi %sub3A_1117, %jit3A_1118 : i32
      %sign3A_1120 = arith.constant 0 : i32
      %sign3A_1121 = arith.cmpi sgt, %sub3A_1117, %sign3A_1120 : i32
      %sign3A_1122 = arith.extui %sign3A_1121 : i1 to i32
      %sign3A_1123 = arith.constant 0 : i32
      %sign3A_1124 = arith.cmpi slt, %sub3A_1117, %sign3A_1123 : i32
      %sign3A_1125 = arith.extui %sign3A_1124 : i1 to i32
      %sign3A_1126 = arith.subi %sign3A_1122, %sign3A_1125 : i32
      %sign3A_1127 = arith.constant 0 : i32
      %sign3A_1128 = arith.cmpi sgt, %jit3A_1118, %sign3A_1127 : i32
      %sign3A_1129 = arith.extui %sign3A_1128 : i1 to i32
      %sign3A_1130 = arith.constant 0 : i32
      %sign3A_1131 = arith.cmpi slt, %jit3A_1118, %sign3A_1130 : i32
      %sign3A_1132 = arith.extui %sign3A_1131 : i1 to i32
      %sign3A_1133 = arith.subi %sign3A_1129, %sign3A_1132 : i32
      %ne3A_1134 = arith.cmpi ne, %sign3A_1126, %sign3A_1133 : i32
      %rem3A_1135 = arith.remsi %sub3A_1117, %jit3A_1118 : i32
      %ne3A_1136 = arith.constant 0 : i32
      %ne3A_1137 = arith.cmpi ne, %rem3A_1135, %ne3A_1136 : i32
      %and3A_1138 = arith.andi %ne3A_1134, %ne3A_1137 : i1
      %sub3A_1139 = arith.constant 1 : i32
      %sub3A_1140 = arith.subi %div3A_1119, %sub3A_1139 : i32
      %select_n3A_1141 = arith.select %and3A_1138, %sub3A_1140, %div3A_1119 : i32
      %jit3A_1142 = arith.constant 25 : i32
      %eq3A_1143 = arith.constant 0 : i32
      %eq3A_1144 = arith.cmpi eq, %jit3A_1142, %eq3A_1143 : i32
      %jit3A_1145 = arith.constant 1 : i32
      %select_n3A_1146 = arith.select %eq3A_1144, %jit3A_1145, %jit3A_1142 : i32
      %rem3A_1147 = arith.remsi %sub3A_1117, %select_n3A_1146 : i32
      %ne3A_1148 = arith.constant 0 : i32
      %ne3A_1149 = arith.cmpi ne, %rem3A_1147, %ne3A_1148 : i32
      %lt3A_1150 = arith.constant 0 : i32
      %lt3A_1151 = arith.cmpi slt, %rem3A_1147, %lt3A_1150 : i32
      %lt3A_1152 = arith.constant 0 : i32
      %lt3A_1153 = arith.cmpi slt, %select_n3A_1146, %lt3A_1152 : i32
      %ne3A_1154 = arith.xori %lt3A_1151, %lt3A_1153 : i1
      %and3A_1155 = arith.andi %ne3A_1154, %ne3A_1149 : i1
      %add3A_1156 = arith.addi %rem3A_1147, %select_n3A_1146 : i32
      %select_n3A_1157 = arith.select %and3A_1155, %add3A_1156, %rem3A_1147 : i32
      %mul3A_1158 = arith.constant 40 : i32
      %mul3A_1159 = arith.muli %select_n3A_1157, %mul3A_1158 : i32
      %mul3A_1160 = arith.constant 128 : i32
      %mul3A_1161 = arith.muli %select_n3A_1141, %mul3A_1160 : i32
      %add3A_1162 = arith.constant 0 : i32
      %add3A_1163 = arith.addi %mul3A_1161, %add3A_1162 : i32
      %get3A_1164 = arith.index_cast %add3A_1163 : i32 to index
      %get3A_1165 = tpu.vector_load %arg4[%get3A_1164] {strides = array<i32>} : memref<2560xi32, #tpu.memory_space<vmem>>, vector<16xi32>,
      %sub3A_1166 = vector.broadcast %mul3A_1159 : i32 to vector<16xi32>
      %sub3A_1167 = arith.subi %get3A_1165, %sub3A_1166 : vector<16xi32>
      %ge3A_1168 = arith.constant 0 : i32
      %ge3A_1169 = vector.broadcast %ge3A_1168 : i32 to vector<16xi32>
      %ge3A_1170 = arith.cmpi sge, %sub3A_1167, %ge3A_1169 : vector<16xi32>
      %lt3A_1171 = arith.constant 40 : i32
      %lt3A_1172 = vector.broadcast %lt3A_1171 : i32 to vector<16xi32>
      %lt3A_1173 = arith.cmpi slt, %sub3A_1167, %lt3A_1172 : vector<16xi32>
      %and3A_1174 = arith.andi %ge3A_1170, %lt3A_1173 : vector<16xi1>
      %add3A_1175 = arith.constant 0 : i32
      %add3A_1176 = vector.broadcast %add3A_1175 : i32 to vector<16xi32>
      %add3A_1177 = arith.addi %iota3A, %add3A_1176 : vector<16xi32>
      tpu.vector_store_idx %arg6[%sub3A_1167, %add3A_1177], %broadcast_in_dim3A_5 masked %and3A_1174 : memref<40x128xf32, #tpu.memory_space<vmem>>[vector<16xi32>, vector<16xi32>], vector<16xf32>, vector<16xi1>
      %mul3A_1178 = arith.constant 128 : i32
      %mul3A_1179 = arith.muli %select_n3A_1141, %mul3A_1178 : i32
      %add3A_1180 = arith.constant 16 : i32
      %add3A_1181 = arith.addi %mul3A_1179, %add3A_1180 : i32
      %get3A_1182 = arith.index_cast %add3A_1181 : i32 to index
      %get3A_1183 = tpu.vector_load %arg4[%get3A_1182] {strides = array<i32>} : memref<2560xi32, #tpu.memory_space<vmem>>, vector<16xi32>,
      %sub3A_1184 = vector.broadcast %mul3A_1159 : i32 to vector<16xi32>
      %sub3A_1185 = arith.subi %get3A_1183, %sub3A_1184 : vector<16xi32>
      %ge3A_1186 = arith.constant 0 : i32
      %ge3A_1187 = vector.broadcast %ge3A_1186 : i32 to vector<16xi32>
      %ge3A_1188 = arith.cmpi sge, %sub3A_1185, %ge3A_1187 : vector<16xi32>
      %lt3A_1189 = arith.constant 40 : i32
      %lt3A_1190 = vector.broadcast %lt3A_1189 : i32 to vector<16xi32>
      %lt3A_1191 = arith.cmpi slt, %sub3A_1185, %lt3A_1190 : vector<16xi32>
      %and3A_1192 = arith.andi %ge3A_1188, %lt3A_1191 : vector<16xi1>
      %add3A_1193 = arith.constant 16 : i32
      %add3A_1194 = vector.broadcast %add3A_1193 : i32 to vector<16xi32>
      %add3A_1195 = arith.addi %iota3A, %add3A_1194 : vector<16xi32>
      tpu.vector_store_idx %arg6[%sub3A_1185, %add3A_1195], %broadcast_in_dim3A_5 masked %and3A_1192 : memref<40x128xf32, #tpu.memory_space<vmem>>[vector<16xi32>, vector<16xi32>], vector<16xf32>, vector<16xi1>
      %mul3A_1196 = arith.constant 128 : i32
      %mul3A_1197 = arith.muli %select_n3A_1141, %mul3A_1196 : i32
      %add3A_1198 = arith.constant 32 : i32
      %add3A_1199 = arith.addi %mul3A_1197, %add3A_1198 : i32
      %get3A_1200 = arith.index_cast %add3A_1199 : i32 to index
      %get3A_1201 = tpu.vector_load %arg4[%get3A_1200] {strides = array<i32>} : memref<2560xi32, #tpu.memory_space<vmem>>, vector<16xi32>,
      %sub3A_1202 = vector.broadcast %mul3A_1159 : i32 to vector<16xi32>
      %sub3A_1203 = arith.subi %get3A_1201, %sub3A_1202 : vector<16xi32>
      %ge3A_1204 = arith.constant 0 : i32
      %ge3A_1205 = vector.broadcast %ge3A_1204 : i32 to vector<16xi32>
      %ge3A_1206 = arith.cmpi sge, %sub3A_1203, %ge3A_1205 : vector<16xi32>
      %lt3A_1207 = arith.constant 40 : i32
      %lt3A_1208 = vector.broadcast %lt3A_1207 : i32 to vector<16xi32>
      %lt3A_1209 = arith.cmpi slt, %sub3A_1203, %lt3A_1208 : vector<16xi32>
      %and3A_1210 = arith.andi %ge3A_1206, %lt3A_1209 : vector<16xi1>
      %add3A_1211 = arith.constant 32 : i32
      %add3A_1212 = vector.broadcast %add3A_1211 : i32 to vector<16xi32>
      %add3A_1213 = arith.addi %iota3A, %add3A_1212 : vector<16xi32>
      tpu.vector_store_idx %arg6[%sub3A_1203, %add3A_1213], %broadcast_in_dim3A_5 masked %and3A_1210 : memref<40x128xf32, #tpu.memory_space<vmem>>[vector<16xi32>, vector<16xi32>], vector<16xf32>, vector<16xi1>
      %mul3A_1214 = arith.constant 128 : i32
      %mul3A_1215 = arith.muli %select_n3A_1141, %mul3A_1214 : i32
      %add3A_1216 = arith.constant 48 : i32
      %add3A_1217 = arith.addi %mul3A_1215, %add3A_1216 : i32
      %get3A_1218 = arith.index_cast %add3A_1217 : i32 to index
      %get3A_1219 = tpu.vector_load %arg4[%get3A_1218] {strides = array<i32>} : memref<2560xi32, #tpu.memory_space<vmem>>, vector<16xi32>,
      %sub3A_1220 = vector.broadcast %mul3A_1159 : i32 to vector<16xi32>
      %sub3A_1221 = arith.subi %get3A_1219, %sub3A_1220 : vector<16xi32>
      %ge3A_1222 = arith.constant 0 : i32
      %ge3A_1223 = vector.broadcast %ge3A_1222 : i32 to vector<16xi32>
      %ge3A_1224 = arith.cmpi sge, %sub3A_1221, %ge3A_1223 : vector<16xi32>
      %lt3A_1225 = arith.constant 40 : i32
      %lt3A_1226 = vector.broadcast %lt3A_1225 : i32 to vector<16xi32>
      %lt3A_1227 = arith.cmpi slt, %sub3A_1221, %lt3A_1226 : vector<16xi32>
      %and3A_1228 = arith.andi %ge3A_1224, %lt3A_1227 : vector<16xi1>
      %add3A_1229 = arith.constant 48 : i32
      %add3A_1230 = vector.broadcast %add3A_1229 : i32 to vector<16xi32>
      %add3A_1231 = arith.addi %iota3A, %add3A_1230 : vector<16xi32>
      tpu.vector_store_idx %arg6[%sub3A_1221, %add3A_1231], %broadcast_in_dim3A_5 masked %and3A_1228 : memref<40x128xf32, #tpu.memory_space<vmem>>[vector<16xi32>, vector<16xi32>], vector<16xf32>, vector<16xi1>
      %mul3A_1232 = arith.constant 128 : i32
      %mul3A_1233 = arith.muli %select_n3A_1141, %mul3A_1232 : i32
      %add3A_1234 = arith.constant 64 : i32
      %add3A_1235 = arith.addi %mul3A_1233, %add3A_1234 : i32
      %get3A_1236 = arith.index_cast %add3A_1235 : i32 to index
      %get3A_1237 = tpu.vector_load %arg4[%get3A_1236] {strides = array<i32>} : memref<2560xi32, #tpu.memory_space<vmem>>, vector<16xi32>,
      %sub3A_1238 = vector.broadcast %mul3A_1159 : i32 to vector<16xi32>
      %sub3A_1239 = arith.subi %get3A_1237, %sub3A_1238 : vector<16xi32>
      %ge3A_1240 = arith.constant 0 : i32
      %ge3A_1241 = vector.broadcast %ge3A_1240 : i32 to vector<16xi32>
      %ge3A_1242 = arith.cmpi sge, %sub3A_1239, %ge3A_1241 : vector<16xi32>
      %lt3A_1243 = arith.constant 40 : i32
      %lt3A_1244 = vector.broadcast %lt3A_1243 : i32 to vector<16xi32>
      %lt3A_1245 = arith.cmpi slt, %sub3A_1239, %lt3A_1244 : vector<16xi32>
      %and3A_1246 = arith.andi %ge3A_1242, %lt3A_1245 : vector<16xi1>
      %add3A_1247 = arith.constant 64 : i32
      %add3A_1248 = vector.broadcast %add3A_1247 : i32 to vector<16xi32>
      %add3A_1249 = arith.addi %iota3A, %add3A_1248 : vector<16xi32>
      tpu.vector_store_idx %arg6[%sub3A_1239, %add3A_1249], %broadcast_in_dim3A_5 masked %and3A_1246 : memref<40x128xf32, #tpu.memory_space<vmem>>[vector<16xi32>, vector<16xi32>], vector<16xf32>, vector<16xi1>
      %mul3A_1250 = arith.constant 128 : i32
      %mul3A_1251 = arith.muli %select_n3A_1141, %mul3A_1250 : i32
      %add3A_1252 = arith.constant 80 : i32
      %add3A_1253 = arith.addi %mul3A_1251, %add3A_1252 : i32
      %get3A_1254 = arith.index_cast %add3A_1253 : i32 to index
      %get3A_1255 = tpu.vector_load %arg4[%get3A_1254] {strides = array<i32>} : memref<2560xi32, #tpu.memory_space<vmem>>, vector<16xi32>,
      %sub3A_1256 = vector.broadcast %mul3A_1159 : i32 to vector<16xi32>
      %sub3A_1257 = arith.subi %get3A_1255, %sub3A_1256 : vector<16xi32>
      %ge3A_1258 = arith.constant 0 : i32
      %ge3A_1259 = vector.broadcast %ge3A_1258 : i32 to vector<16xi32>
      %ge3A_1260 = arith.cmpi sge, %sub3A_1257, %ge3A_1259 : vector<16xi32>
      %lt3A_1261 = arith.constant 40 : i32
      %lt3A_1262 = vector.broadcast %lt3A_1261 : i32 to vector<16xi32>
      %lt3A_1263 = arith.cmpi slt, %sub3A_1257, %lt3A_1262 : vector<16xi32>
      %and3A_1264 = arith.andi %ge3A_1260, %lt3A_1263 : vector<16xi1>
      %add3A_1265 = arith.constant 80 : i32
      %add3A_1266 = vector.broadcast %add3A_1265 : i32 to vector<16xi32>
      %add3A_1267 = arith.addi %iota3A, %add3A_1266 : vector<16xi32>
      tpu.vector_store_idx %arg6[%sub3A_1257, %add3A_1267], %broadcast_in_dim3A_5 masked %and3A_1264 : memref<40x128xf32, #tpu.memory_space<vmem>>[vector<16xi32>, vector<16xi32>], vector<16xf32>, vector<16xi1>
      %mul3A_1268 = arith.constant 128 : i32
      %mul3A_1269 = arith.muli %select_n3A_1141, %mul3A_1268 : i32
      %add3A_1270 = arith.constant 96 : i32
      %add3A_1271 = arith.addi %mul3A_1269, %add3A_1270 : i32
      %get3A_1272 = arith.index_cast %add3A_1271 : i32 to index
      %get3A_1273 = tpu.vector_load %arg4[%get3A_1272] {strides = array<i32>} : memref<2560xi32, #tpu.memory_space<vmem>>, vector<16xi32>,
      %sub3A_1274 = vector.broadcast %mul3A_1159 : i32 to vector<16xi32>
      %sub3A_1275 = arith.subi %get3A_1273, %sub3A_1274 : vector<16xi32>
      %ge3A_1276 = arith.constant 0 : i32
      %ge3A_1277 = vector.broadcast %ge3A_1276 : i32 to vector<16xi32>
      %ge3A_1278 = arith.cmpi sge, %sub3A_1275, %ge3A_1277 : vector<16xi32>
      %lt3A_1279 = arith.constant 40 : i32
      %lt3A_1280 = vector.broadcast %lt3A_1279 : i32 to vector<16xi32>
      %lt3A_1281 = arith.cmpi slt, %sub3A_1275, %lt3A_1280 : vector<16xi32>
      %and3A_1282 = arith.andi %ge3A_1278, %lt3A_1281 : vector<16xi1>
      %add3A_1283 = arith.constant 96 : i32
      %add3A_1284 = vector.broadcast %add3A_1283 : i32 to vector<16xi32>
      %add3A_1285 = arith.addi %iota3A, %add3A_1284 : vector<16xi32>
      tpu.vector_store_idx %arg6[%sub3A_1275, %add3A_1285], %broadcast_in_dim3A_5 masked %and3A_1282 : memref<40x128xf32, #tpu.memory_space<vmem>>[vector<16xi32>, vector<16xi32>], vector<16xf32>, vector<16xi1>
      %mul3A_1286 = arith.constant 128 : i32
      %mul3A_1287 = arith.muli %select_n3A_1141, %mul3A_1286 : i32
      %add3A_1288 = arith.constant 112 : i32
      %add3A_1289 = arith.addi %mul3A_1287, %add3A_1288 : i32
      %get3A_1290 = arith.index_cast %add3A_1289 : i32 to index
      %get3A_1291 = tpu.vector_load %arg4[%get3A_1290] {strides = array<i32>} : memref<2560xi32, #tpu.memory_space<vmem>>, vector<16xi32>,
      %sub3A_1292 = vector.broadcast %mul3A_1159 : i32 to vector<16xi32>
      %sub3A_1293 = arith.subi %get3A_1291, %sub3A_1292 : vector<16xi32>
      %ge3A_1294 = arith.constant 0 : i32
      %ge3A_1295 = vector.broadcast %ge3A_1294 : i32 to vector<16xi32>
      %ge3A_1296 = arith.cmpi sge, %sub3A_1293, %ge3A_1295 : vector<16xi32>
      %lt3A_1297 = arith.constant 40 : i32
      %lt3A_1298 = vector.broadcast %lt3A_1297 : i32 to vector<16xi32>
      %lt3A_1299 = arith.cmpi slt, %sub3A_1293, %lt3A_1298 : vector<16xi32>
      %and3A_1300 = arith.andi %ge3A_1296, %lt3A_1299 : vector<16xi1>
      %add3A_1301 = arith.constant 112 : i32
      %add3A_1302 = vector.broadcast %add3A_1301 : i32 to vector<16xi32>
      %add3A_1303 = arith.addi %iota3A, %add3A_1302 : vector<16xi32>
      tpu.vector_store_idx %arg6[%sub3A_1293, %add3A_1303], %broadcast_in_dim3A_5 masked %and3A_1300 : memref<40x128xf32, #tpu.memory_space<vmem>>[vector<16xi32>, vector<16xi32>], vector<16xf32>, vector<16xi1>
      %jit3A_1304 = arith.constant 25 : i32
      %div3A_1305 = arith.divsi %add3A_1067, %jit3A_1304 : i32
      %sign3A_1306 = arith.constant 0 : i32
      %sign3A_1307 = arith.cmpi sgt, %add3A_1067, %sign3A_1306 : i32
      %sign3A_1308 = arith.extui %sign3A_1307 : i1 to i32
      %sign3A_1309 = arith.constant 0 : i32
      %sign3A_1310 = arith.cmpi slt, %add3A_1067, %sign3A_1309 : i32
      %sign3A_1311 = arith.extui %sign3A_1310 : i1 to i32
      %sign3A_1312 = arith.subi %sign3A_1308, %sign3A_1311 : i32
      %sign3A_1313 = arith.constant 0 : i32
      %sign3A_1314 = arith.cmpi sgt, %jit3A_1304, %sign3A_1313 : i32
      %sign3A_1315 = arith.extui %sign3A_1314 : i1 to i32
      %sign3A_1316 = arith.constant 0 : i32
      %sign3A_1317 = arith.cmpi slt, %jit3A_1304, %sign3A_1316 : i32
      %sign3A_1318 = arith.extui %sign3A_1317 : i1 to i32
      %sign3A_1319 = arith.subi %sign3A_1315, %sign3A_1318 : i32
      %ne3A_1320 = arith.cmpi ne, %sign3A_1312, %sign3A_1319 : i32
      %rem3A_1321 = arith.remsi %add3A_1067, %jit3A_1304 : i32
      %ne3A_1322 = arith.constant 0 : i32
      %ne3A_1323 = arith.cmpi ne, %rem3A_1321, %ne3A_1322 : i32
      %and3A_1324 = arith.andi %ne3A_1320, %ne3A_1323 : i1
      %sub3A_1325 = arith.constant 1 : i32
      %sub3A_1326 = arith.subi %div3A_1305, %sub3A_1325 : i32
      %select_n3A_1327 = arith.select %and3A_1324, %sub3A_1326, %div3A_1305 : i32
      %jit3A_1328 = arith.constant 25 : i32
      %eq3A_1329 = arith.constant 0 : i32
      %eq3A_1330 = arith.cmpi eq, %jit3A_1328, %eq3A_1329 : i32
      %jit3A_1331 = arith.constant 1 : i32
      %select_n3A_1332 = arith.select %eq3A_1330, %jit3A_1331, %jit3A_1328 : i32
      %rem3A_1333 = arith.remsi %add3A_1067, %select_n3A_1332 : i32
      %ne3A_1334 = arith.constant 0 : i32
      %ne3A_1335 = arith.cmpi ne, %rem3A_1333, %ne3A_1334 : i32
      %lt3A_1336 = arith.constant 0 : i32
      %lt3A_1337 = arith.cmpi slt, %rem3A_1333, %lt3A_1336 : i32
      %lt3A_1338 = arith.constant 0 : i32
      %lt3A_1339 = arith.cmpi slt, %select_n3A_1332, %lt3A_1338 : i32
      %ne3A_1340 = arith.xori %lt3A_1337, %lt3A_1339 : i1
      %and3A_1341 = arith.andi %ne3A_1340, %ne3A_1335 : i1
      %add3A_1342 = arith.addi %rem3A_1333, %select_n3A_1332 : i32
      %select_n3A_1343 = arith.select %and3A_1341, %add3A_1342, %rem3A_1333 : i32
      %mul3A_1344 = arith.constant 40 : i32
      %mul3A_1345 = arith.muli %select_n3A_1343, %mul3A_1344 : i32
      %mul3A_1346 = arith.constant 128 : i32
      %mul3A_1347 = arith.muli %select_n3A_1327, %mul3A_1346 : i32
      %add3A_1348 = arith.constant 0 : i32
      %add3A_1349 = arith.addi %mul3A_1347, %add3A_1348 : i32
      %get3A_1350 = arith.index_cast %add3A_1349 : i32 to index
      %get3A_1351 = tpu.vector_load %arg4[%get3A_1350] {strides = array<i32>} : memref<2560xi32, #tpu.memory_space<vmem>>, vector<16xi32>,
      %sub3A_1352 = vector.broadcast %mul3A_1345 : i32 to vector<16xi32>
      %sub3A_1353 = arith.subi %get3A_1351, %sub3A_1352 : vector<16xi32>
      %ge3A_1354 = arith.constant 0 : i32
      %ge3A_1355 = vector.broadcast %ge3A_1354 : i32 to vector<16xi32>
      %ge3A_1356 = arith.cmpi sge, %sub3A_1353, %ge3A_1355 : vector<16xi32>
      %lt3A_1357 = arith.constant 40 : i32
      %lt3A_1358 = vector.broadcast %lt3A_1357 : i32 to vector<16xi32>
      %lt3A_1359 = arith.cmpi slt, %sub3A_1353, %lt3A_1358 : vector<16xi32>
      %and3A_1360 = arith.andi %ge3A_1356, %lt3A_1359 : vector<16xi1>
      %add3A_1361 = arith.constant 0 : i32
      %add3A_1362 = vector.broadcast %add3A_1361 : i32 to vector<16xi32>
      %add3A_1363 = arith.addi %iota3A, %add3A_1362 : vector<16xi32>
      tpu.vector_store_idx %arg6[%sub3A_1353, %add3A_1363], %broadcast_in_dim3A_3 masked %and3A_1360 : memref<40x128xf32, #tpu.memory_space<vmem>>[vector<16xi32>, vector<16xi32>], vector<16xf32>, vector<16xi1>
      %mul3A_1364 = arith.constant 128 : i32
      %mul3A_1365 = arith.muli %select_n3A_1327, %mul3A_1364 : i32
      %add3A_1366 = arith.constant 16 : i32
      %add3A_1367 = arith.addi %mul3A_1365, %add3A_1366 : i32
      %get3A_1368 = arith.index_cast %add3A_1367 : i32 to index
      %get3A_1369 = tpu.vector_load %arg4[%get3A_1368] {strides = array<i32>} : memref<2560xi32, #tpu.memory_space<vmem>>, vector<16xi32>,
      %sub3A_1370 = vector.broadcast %mul3A_1345 : i32 to vector<16xi32>
      %sub3A_1371 = arith.subi %get3A_1369, %sub3A_1370 : vector<16xi32>
      %ge3A_1372 = arith.constant 0 : i32
      %ge3A_1373 = vector.broadcast %ge3A_1372 : i32 to vector<16xi32>
      %ge3A_1374 = arith.cmpi sge, %sub3A_1371, %ge3A_1373 : vector<16xi32>
      %lt3A_1375 = arith.constant 40 : i32
      %lt3A_1376 = vector.broadcast %lt3A_1375 : i32 to vector<16xi32>
      %lt3A_1377 = arith.cmpi slt, %sub3A_1371, %lt3A_1376 : vector<16xi32>
      %and3A_1378 = arith.andi %ge3A_1374, %lt3A_1377 : vector<16xi1>
      %add3A_1379 = arith.constant 16 : i32
      %add3A_1380 = vector.broadcast %add3A_1379 : i32 to vector<16xi32>
      %add3A_1381 = arith.addi %iota3A, %add3A_1380 : vector<16xi32>
      tpu.vector_store_idx %arg6[%sub3A_1371, %add3A_1381], %broadcast_in_dim3A_3 masked %and3A_1378 : memref<40x128xf32, #tpu.memory_space<vmem>>[vector<16xi32>, vector<16xi32>], vector<16xf32>, vector<16xi1>
      %mul3A_1382 = arith.constant 128 : i32
      %mul3A_1383 = arith.muli %select_n3A_1327, %mul3A_1382 : i32
      %add3A_1384 = arith.constant 32 : i32
      %add3A_1385 = arith.addi %mul3A_1383, %add3A_1384 : i32
      %get3A_1386 = arith.index_cast %add3A_1385 : i32 to index
      %get3A_1387 = tpu.vector_load %arg4[%get3A_1386] {strides = array<i32>} : memref<2560xi32, #tpu.memory_space<vmem>>, vector<16xi32>,
      %sub3A_1388 = vector.broadcast %mul3A_1345 : i32 to vector<16xi32>
      %sub3A_1389 = arith.subi %get3A_1387, %sub3A_1388 : vector<16xi32>
      %ge3A_1390 = arith.constant 0 : i32
      %ge3A_1391 = vector.broadcast %ge3A_1390 : i32 to vector<16xi32>
      %ge3A_1392 = arith.cmpi sge, %sub3A_1389, %ge3A_1391 : vector<16xi32>
      %lt3A_1393 = arith.constant 40 : i32
      %lt3A_1394 = vector.broadcast %lt3A_1393 : i32 to vector<16xi32>
      %lt3A_1395 = arith.cmpi slt, %sub3A_1389, %lt3A_1394 : vector<16xi32>
      %and3A_1396 = arith.andi %ge3A_1392, %lt3A_1395 : vector<16xi1>
      %add3A_1397 = arith.constant 32 : i32
      %add3A_1398 = vector.broadcast %add3A_1397 : i32 to vector<16xi32>
      %add3A_1399 = arith.addi %iota3A, %add3A_1398 : vector<16xi32>
      tpu.vector_store_idx %arg6[%sub3A_1389, %add3A_1399], %broadcast_in_dim3A_3 masked %and3A_1396 : memref<40x128xf32, #tpu.memory_space<vmem>>[vector<16xi32>, vector<16xi32>], vector<16xf32>, vector<16xi1>
      %mul3A_1400 = arith.constant 128 : i32
      %mul3A_1401 = arith.muli %select_n3A_1327, %mul3A_1400 : i32
      %add3A_1402 = arith.constant 48 : i32
      %add3A_1403 = arith.addi %mul3A_1401, %add3A_1402 : i32
      %get3A_1404 = arith.index_cast %add3A_1403 : i32 to index
      %get3A_1405 = tpu.vector_load %arg4[%get3A_1404] {strides = array<i32>} : memref<2560xi32, #tpu.memory_space<vmem>>, vector<16xi32>,
      %sub3A_1406 = vector.broadcast %mul3A_1345 : i32 to vector<16xi32>
      %sub3A_1407 = arith.subi %get3A_1405, %sub3A_1406 : vector<16xi32>
      %ge3A_1408 = arith.constant 0 : i32
      %ge3A_1409 = vector.broadcast %ge3A_1408 : i32 to vector<16xi32>
      %ge3A_1410 = arith.cmpi sge, %sub3A_1407, %ge3A_1409 : vector<16xi32>
      %lt3A_1411 = arith.constant 40 : i32
      %lt3A_1412 = vector.broadcast %lt3A_1411 : i32 to vector<16xi32>
      %lt3A_1413 = arith.cmpi slt, %sub3A_1407, %lt3A_1412 : vector<16xi32>
      %and3A_1414 = arith.andi %ge3A_1410, %lt3A_1413 : vector<16xi1>
      %add3A_1415 = arith.constant 48 : i32
      %add3A_1416 = vector.broadcast %add3A_1415 : i32 to vector<16xi32>
      %add3A_1417 = arith.addi %iota3A, %add3A_1416 : vector<16xi32>
      tpu.vector_store_idx %arg6[%sub3A_1407, %add3A_1417], %broadcast_in_dim3A_3 masked %and3A_1414 : memref<40x128xf32, #tpu.memory_space<vmem>>[vector<16xi32>, vector<16xi32>], vector<16xf32>, vector<16xi1>
      %mul3A_1418 = arith.constant 128 : i32
      %mul3A_1419 = arith.muli %select_n3A_1327, %mul3A_1418 : i32
      %add3A_1420 = arith.constant 64 : i32
      %add3A_1421 = arith.addi %mul3A_1419, %add3A_1420 : i32
      %get3A_1422 = arith.index_cast %add3A_1421 : i32 to index
      %get3A_1423 = tpu.vector_load %arg4[%get3A_1422] {strides = array<i32>} : memref<2560xi32, #tpu.memory_space<vmem>>, vector<16xi32>,
      %sub3A_1424 = vector.broadcast %mul3A_1345 : i32 to vector<16xi32>
      %sub3A_1425 = arith.subi %get3A_1423, %sub3A_1424 : vector<16xi32>
      %ge3A_1426 = arith.constant 0 : i32
      %ge3A_1427 = vector.broadcast %ge3A_1426 : i32 to vector<16xi32>
      %ge3A_1428 = arith.cmpi sge, %sub3A_1425, %ge3A_1427 : vector<16xi32>
      %lt3A_1429 = arith.constant 40 : i32
      %lt3A_1430 = vector.broadcast %lt3A_1429 : i32 to vector<16xi32>
      %lt3A_1431 = arith.cmpi slt, %sub3A_1425, %lt3A_1430 : vector<16xi32>
      %and3A_1432 = arith.andi %ge3A_1428, %lt3A_1431 : vector<16xi1>
      %add3A_1433 = arith.constant 64 : i32
      %add3A_1434 = vector.broadcast %add3A_1433 : i32 to vector<16xi32>
      %add3A_1435 = arith.addi %iota3A, %add3A_1434 : vector<16xi32>
      tpu.vector_store_idx %arg6[%sub3A_1425, %add3A_1435], %broadcast_in_dim3A_3 masked %and3A_1432 : memref<40x128xf32, #tpu.memory_space<vmem>>[vector<16xi32>, vector<16xi32>], vector<16xf32>, vector<16xi1>
      %mul3A_1436 = arith.constant 128 : i32
      %mul3A_1437 = arith.muli %select_n3A_1327, %mul3A_1436 : i32
      %add3A_1438 = arith.constant 80 : i32
      %add3A_1439 = arith.addi %mul3A_1437, %add3A_1438 : i32
      %get3A_1440 = arith.index_cast %add3A_1439 : i32 to index
      %get3A_1441 = tpu.vector_load %arg4[%get3A_1440] {strides = array<i32>} : memref<2560xi32, #tpu.memory_space<vmem>>, vector<16xi32>,
      %sub3A_1442 = vector.broadcast %mul3A_1345 : i32 to vector<16xi32>
      %sub3A_1443 = arith.subi %get3A_1441, %sub3A_1442 : vector<16xi32>
      %ge3A_1444 = arith.constant 0 : i32
      %ge3A_1445 = vector.broadcast %ge3A_1444 : i32 to vector<16xi32>
      %ge3A_1446 = arith.cmpi sge, %sub3A_1443, %ge3A_1445 : vector<16xi32>
      %lt3A_1447 = arith.constant 40 : i32
      %lt3A_1448 = vector.broadcast %lt3A_1447 : i32 to vector<16xi32>
      %lt3A_1449 = arith.cmpi slt, %sub3A_1443, %lt3A_1448 : vector<16xi32>
      %and3A_1450 = arith.andi %ge3A_1446, %lt3A_1449 : vector<16xi1>
      %add3A_1451 = arith.constant 80 : i32
      %add3A_1452 = vector.broadcast %add3A_1451 : i32 to vector<16xi32>
      %add3A_1453 = arith.addi %iota3A, %add3A_1452 : vector<16xi32>
      tpu.vector_store_idx %arg6[%sub3A_1443, %add3A_1453], %broadcast_in_dim3A_3 masked %and3A_1450 : memref<40x128xf32, #tpu.memory_space<vmem>>[vector<16xi32>, vector<16xi32>], vector<16xf32>, vector<16xi1>
      %mul3A_1454 = arith.constant 128 : i32
      %mul3A_1455 = arith.muli %select_n3A_1327, %mul3A_1454 : i32
      %add3A_1456 = arith.constant 96 : i32
      %add3A_1457 = arith.addi %mul3A_1455, %add3A_1456 : i32
      %get3A_1458 = arith.index_cast %add3A_1457 : i32 to index
      %get3A_1459 = tpu.vector_load %arg4[%get3A_1458] {strides = array<i32>} : memref<2560xi32, #tpu.memory_space<vmem>>, vector<16xi32>,
      %sub3A_1460 = vector.broadcast %mul3A_1345 : i32 to vector<16xi32>
      %sub3A_1461 = arith.subi %get3A_1459, %sub3A_1460 : vector<16xi32>
      %ge3A_1462 = arith.constant 0 : i32
      %ge3A_1463 = vector.broadcast %ge3A_1462 : i32 to vector<16xi32>
      %ge3A_1464 = arith.cmpi sge, %sub3A_1461, %ge3A_1463 : vector<16xi32>
      %lt3A_1465 = arith.constant 40 : i32
      %lt3A_1466 = vector.broadcast %lt3A_1465 : i32 to vector<16xi32>
      %lt3A_1467 = arith.cmpi slt, %sub3A_1461, %lt3A_1466 : vector<16xi32>
      %and3A_1468 = arith.andi %ge3A_1464, %lt3A_1467 : vector<16xi1>
      %add3A_1469 = arith.constant 96 : i32
      %add3A_1470 = vector.broadcast %add3A_1469 : i32 to vector<16xi32>
      %add3A_1471 = arith.addi %iota3A, %add3A_1470 : vector<16xi32>
      tpu.vector_store_idx %arg6[%sub3A_1461, %add3A_1471], %broadcast_in_dim3A_3 masked %and3A_1468 : memref<40x128xf32, #tpu.memory_space<vmem>>[vector<16xi32>, vector<16xi32>], vector<16xf32>, vector<16xi1>
      %mul3A_1472 = arith.constant 128 : i32
      %mul3A_1473 = arith.muli %select_n3A_1327, %mul3A_1472 : i32
      %add3A_1474 = arith.constant 112 : i32
      %add3A_1475 = arith.addi %mul3A_1473, %add3A_1474 : i32
      %get3A_1476 = arith.index_cast %add3A_1475 : i32 to index
      %get3A_1477 = tpu.vector_load %arg4[%get3A_1476] {strides = array<i32>} : memref<2560xi32, #tpu.memory_space<vmem>>, vector<16xi32>,
      %sub3A_1478 = vector.broadcast %mul3A_1345 : i32 to vector<16xi32>
      %sub3A_1479 = arith.subi %get3A_1477, %sub3A_1478 : vector<16xi32>
      %ge3A_1480 = arith.constant 0 : i32
      %ge3A_1481 = vector.broadcast %ge3A_1480 : i32 to vector<16xi32>
      %ge3A_1482 = arith.cmpi sge, %sub3A_1479, %ge3A_1481 : vector<16xi32>
      %lt3A_1483 = arith.constant 40 : i32
      %lt3A_1484 = vector.broadcast %lt3A_1483 : i32 to vector<16xi32>
      %lt3A_1485 = arith.cmpi slt, %sub3A_1479, %lt3A_1484 : vector<16xi32>
      %and3A_1486 = arith.andi %ge3A_1482, %lt3A_1485 : vector<16xi1>
      %add3A_1487 = arith.constant 112 : i32
      %add3A_1488 = vector.broadcast %add3A_1487 : i32 to vector<16xi32>
      %add3A_1489 = arith.addi %iota3A, %add3A_1488 : vector<16xi32>
      tpu.vector_store_idx %arg6[%sub3A_1479, %add3A_1489], %broadcast_in_dim3A_3 masked %and3A_1486 : memref<40x128xf32, #tpu.memory_space<vmem>>[vector<16xi32>, vector<16xi32>], vector<16xf32>, vector<16xi1>
      %jit3A_1490 = arith.constant 25 : i32
      %div3A_1491 = arith.divsi %add3A_1067, %jit3A_1490 : i32
      %sign3A_1492 = arith.constant 0 : i32
      %sign3A_1493 = arith.cmpi sgt, %add3A_1067, %sign3A_1492 : i32
      %sign3A_1494 = arith.extui %sign3A_1493 : i1 to i32
      %sign3A_1495 = arith.constant 0 : i32
      %sign3A_1496 = arith.cmpi slt, %add3A_1067, %sign3A_1495 : i32
      %sign3A_1497 = arith.extui %sign3A_1496 : i1 to i32
      %sign3A_1498 = arith.subi %sign3A_1494, %sign3A_1497 : i32
      %sign3A_1499 = arith.constant 0 : i32
      %sign3A_1500 = arith.cmpi sgt, %jit3A_1490, %sign3A_1499 : i32
      %sign3A_1501 = arith.extui %sign3A_1500 : i1 to i32
      %sign3A_1502 = arith.constant 0 : i32
      %sign3A_1503 = arith.cmpi slt, %jit3A_1490, %sign3A_1502 : i32
      %sign3A_1504 = arith.extui %sign3A_1503 : i1 to i32
      %sign3A_1505 = arith.subi %sign3A_1501, %sign3A_1504 : i32
      %ne3A_1506 = arith.cmpi ne, %sign3A_1498, %sign3A_1505 : i32
      %rem3A_1507 = arith.remsi %add3A_1067, %jit3A_1490 : i32
      %ne3A_1508 = arith.constant 0 : i32
      %ne3A_1509 = arith.cmpi ne, %rem3A_1507, %ne3A_1508 : i32
      %and3A_1510 = arith.andi %ne3A_1506, %ne3A_1509 : i1
      %sub3A_1511 = arith.constant 1 : i32
      %sub3A_1512 = arith.subi %div3A_1491, %sub3A_1511 : i32
      %select_n3A_1513 = arith.select %and3A_1510, %sub3A_1512, %div3A_1491 : i32
      %jit3A_1514 = arith.constant 25 : i32
      %eq3A_1515 = arith.constant 0 : i32
      %eq3A_1516 = arith.cmpi eq, %jit3A_1514, %eq3A_1515 : i32
      %jit3A_1517 = arith.constant 1 : i32
      %select_n3A_1518 = arith.select %eq3A_1516, %jit3A_1517, %jit3A_1514 : i32
      %rem3A_1519 = arith.remsi %add3A_1067, %select_n3A_1518 : i32
      %ne3A_1520 = arith.constant 0 : i32
      %ne3A_1521 = arith.cmpi ne, %rem3A_1519, %ne3A_1520 : i32
      %lt3A_1522 = arith.constant 0 : i32
      %lt3A_1523 = arith.cmpi slt, %rem3A_1519, %lt3A_1522 : i32
      %lt3A_1524 = arith.constant 0 : i32
      %lt3A_1525 = arith.cmpi slt, %select_n3A_1518, %lt3A_1524 : i32
      %ne3A_1526 = arith.xori %lt3A_1523, %lt3A_1525 : i1
      %and3A_1527 = arith.andi %ne3A_1526, %ne3A_1521 : i1
      %add3A_1528 = arith.addi %rem3A_1519, %select_n3A_1518 : i32
      %select_n3A_1529 = arith.select %and3A_1527, %add3A_1528, %rem3A_1519 : i32
      %mul3A_1530 = arith.constant 40 : i32
      %mul3A_1531 = arith.muli %select_n3A_1529, %mul3A_1530 : i32
      %dma_start3A_1532 = tpu.memref_slice %arg3[%select_n3A_1513, %mul3A_1531, %mul3A_2] : memref<20x1000x4096xf32, #tpu.memory_space<hbm>> -> memref<1x40x128xf32, #tpu.memory_space<hbm>>
      %dma_start3A_1533 = tpu.memref_squeeze %dma_start3A_1532 : memref<1x40x128xf32, #tpu.memory_space<hbm>> -> memref<40x128xf32, #tpu.memory_space<hbm>>
      %dma_start3A_1534 = tpu.memref_slice %arg3[%select_n3A_1513, %mul3A_1531, %mul3A_2] : memref<20x1000x4096xf32, #tpu.memory_space<hbm>> -> memref<1x40x128xf32, #tpu.memory_space<hbm>>
      %dma_start3A_1535 = tpu.memref_squeeze %dma_start3A_1534 : memref<1x40x128xf32, #tpu.memory_space<hbm>> -> memref<40x128xf32, #tpu.memory_space<hbm>>
      tpu.enqueue_dma source(%arg6 : memref<40x128xf32, #tpu.memory_space<vmem>>) target(%dma_start3A_1535 : memref<40x128xf32, #tpu.memory_space<hbm>>) target_semaphore(%arg8 : memref<!tpu.dma_semaphore, #tpu.memory_space<semaphore_mem>>)
    }
    %scan3A_583 = arith.constant 249 : i32
    %dma_wait3A_584 = arith.constant 19 : i32
    %dma_wait3A_585 = arith.constant 920 : i32
    %dma_wait3A_586 = tpu.memref_slice %arg3[%dma_wait3A_584, %dma_wait3A_585, %mul3A_2] : memref<20x1000x4096xf32, #tpu.memory_space<hbm>> -> memref<1x40x128xf32, #tpu.memory_space<hbm>>
    %dma_wait3A_587 = tpu.memref_squeeze %dma_wait3A_586 : memref<1x40x128xf32, #tpu.memory_space<hbm>> -> memref<40x128xf32, #tpu.memory_space<hbm>>
    %dma_wait3A_588 = arith.constant 920 : i32
    %dma_wait3A_589 = tpu.memref_slice %arg3[%dma_wait3A_584, %dma_wait3A_588, %mul3A_2] : memref<20x1000x4096xf32, #tpu.memory_space<hbm>> -> memref<1x40x128xf32, #tpu.memory_space<hbm>>
    %dma_wait3A_590 = tpu.memref_squeeze %dma_wait3A_589 : memref<1x40x128xf32, #tpu.memory_space<hbm>> -> memref<40x128xf32, #tpu.memory_space<hbm>>
    tpu.wait_dma2 semaphore(%arg7 : memref<!tpu.dma_semaphore, #tpu.memory_space<semaphore_mem>>) src(%arg5 : memref<40x128xf32, #tpu.memory_space<vmem>>) dst(%dma_wait3A_590 : memref<40x128xf32, #tpu.memory_space<hbm>>)
    %dma_wait3A_591 = arith.constant 19 : i32
    %dma_wait3A_592 = arith.constant 960 : i32
    %dma_wait3A_593 = tpu.memref_slice %arg3[%dma_wait3A_591, %dma_wait3A_592, %mul3A_2] : memref<20x1000x4096xf32, #tpu.memory_space<hbm>> -> memref<1x40x128xf32, #tpu.memory_space<hbm>>
    %dma_wait3A_594 = tpu.memref_squeeze %dma_wait3A_593 : memref<1x40x128xf32, #tpu.memory_space<hbm>> -> memref<40x128xf32, #tpu.memory_space<hbm>>
    %dma_wait3A_595 = arith.constant 960 : i32
    %dma_wait3A_596 = tpu.memref_slice %arg3[%dma_wait3A_591, %dma_wait3A_595, %mul3A_2] : memref<20x1000x4096xf32, #tpu.memory_space<hbm>> -> memref<1x40x128xf32, #tpu.memory_space<hbm>>
    %dma_wait3A_597 = tpu.memref_squeeze %dma_wait3A_596 : memref<1x40x128xf32, #tpu.memory_space<hbm>> -> memref<40x128xf32, #tpu.memory_space<hbm>>
    tpu.wait_dma2 semaphore(%arg8 : memref<!tpu.dma_semaphore, #tpu.memory_space<semaphore_mem>>) src(%arg6 : memref<40x128xf32, #tpu.memory_space<vmem>>) dst(%dma_wait3A_597 : memref<40x128xf32, #tpu.memory_space<hbm>>)
    return
  }
}

</mosaic_0001>

<sc_bundles>
// kernel: kernel.3.cloned.1.call-start
scs
__scs_entry_jumppad:
0x0: {  	(pc) =	sbr.rel $0x88, $3  }
0x1: {  	(tag) =	ssettag $0x0;
	lr =	simm.s32 $0x1  }
0x2: {  	[smem:$0x3FA0] =	sst lr;
	_ =	strace $0xD0000000  }
0x3: {  	_ = 	snop  }
0x4: {  	_ = 	snop  }
0x5: {  	_ = 	snop  }
0x6: {  	_ = 	snop  }
0x7: {  	_ = 	snop  }
__scs_overlays_trampoline_lowered:
0x8: {  	[smem:$0x3FAF] =	sst s0  }
0x9: {  	[smem:$0x3FB0] =	sst s1  }
0xa: {  	[smem:$0x3FB1] =	sst s2  }
0xb: {  	[smem:$0x3FB2] =	sst s3  }
0xc: {  	[smem:$0x3FB3] =	sst s4  }
0xd: {  	[smem:$0x3FB4] =	sst s5  }
0xe: {  	[smem:$0x3FB5] =	sst s6  }
0xf: {  	[smem:$0x3FB6] =	sst s7  }
0x10: {  	[smem:$0x3FB7] =	sst s8  }
0x11: {  	[smem:$0x3FB8] =	sst s9;
	s0 =	simm.s32 @!p0 $0x0  }
0x12: {  	s1 =	sld [smem:$0x3F9E];
	s0 =	simm.s32 @p0 $0x1  }
0x13: {  	[smem:$0x3FB9] =	sst s0;
	s0 =	simm.s32 @!p1 $0x0  }
0x14: {  	s2 =	sld [smem:$0x3F9D];
	s0 =	simm.s32 @p1 $0x1  }
0x15: {  	[smem:$0x3FBA] =	sst s0;
	s0 =	simm.s32 @!p2 $0x0  }
0x16: {  	s3 =	sld [smem:$0x3FDB];
	s0 =	simm.s32 @p2 $0x1  }
0x17: {  	s4 =	simm.s32 $0x1BF5;
	[smem:$0x3FBC] =	sst s0  }
0x18: {  	s0 =	sld [smem:$0x3F9F];
	_ =	swait.ge [sflag:s4], $0x0  }
0x19: {  	s7 =	sld [smem:$0x3FA0]  }
0x1a: {  	s8 =	sadd.s32 $0xFFFFE003, lr  }
0x1b: {  	s9 =	sadd.s32 $0xFFFFFEF7, lr;
	s5 =	simm.s32 $0xFFFFFFFF;
	p2 =	slt.u32 s8, $0xFFFFF086  }
0x1c: {  	p1 =	slt.u32 s9, $0xF7A;
	s5 =	simm.s32 @!p2 $0x0  }
0x1d: {  	s5 =	simm.s32 @p1 $0x1;
	p0 =	seq.s32 s7, s2  }
0x1e: {  	s7 =	smul.u32 @!p0 $0xF7A, s2;
	p2 =	seq.s32 @!p0 s5, $0x0  }
0x1f: {  	s9 =	smul.u32 $0xF7A, s1;
	s8 =	simm.s32 @!p0 $0x1BF5;
	p2 =	por !p2, p0  }
0x20: {  	[sflag:s8] =	ssyncset.s32 @!p0 $0xFFFFF086;
	s6 =	sadd.s32 @!p0 s3, s7;
	s7 =	simm.s32 @!p0 $0x108  }
0x21: {  	s3 =	sadd.s32 s3, s9;
	s6 =	sadd.s32 @!p0 $0x88, s6;
	s7 =	simm.s32 @p2 $0x1082  }
0x22: {  	[simem:s7], [sflag:s8] =	dma.local @!p0 [hbm:s6], $0xF7A  }
0x23: {  	s9 =	sor.u32 $0xD0000000, s2;
	s6 =	simm.s32 $0x108;
	_ =	swait.ge @!p0 [sflag:s8], $0x0  }
0x24: {  	s3 =	sadd.s32 $0x88, s3;
	s6 =	simm.s32 @!p1 $0x1082;
	[sflag:s4] =	ssyncset.s32 $0xFFFFF086  }
0x25: {  	[simem:s6], [sflag:s4] =	dma.local [hbm:s3], $0xF7A  }
0x26: {  	[smem:$0x3FA0] =	sst s1;
	(tag) =	ssettag s2;
	_ =	strace s9  }
0x27: {  	s1 =	sld [smem:$0x3FB0]  }
0x28: {  	s2 =	sld [smem:$0x3FB1]  }
0x29: {  	s4 =	sld [smem:$0x3FB3]  }
0x2a: {  	p0 =	seq.s32 s5, $0x0;
	s5 =	sld [smem:$0x3FB4]  }
0x2b: {  	s6 =	sld [smem:$0x3FB5]  }
0x2c: {  	s7 =	sld [smem:$0x3FB6]  }
0x2d: {  	s3 =	simm.s32 $0x108;
	s8 =	sld [smem:$0x3FB7]  }
0x2e: {  	s3 =	simm.s32 @!p0 $0x1082;
	s9 =	sld [smem:$0x3FB8]  }
0x2f: {  	lr =	sadd.s32 s0, s3;
	s0 =	sld [smem:$0x3FAF]  }
0x30: {  	s3 =	sld [smem:$0x3FB2]  }
0x31: {  	[smem:$0x3FBB] =	sst s10  }
0x32: {  	s10 =	sld [smem:$0x3FB9];
	_ =	sdelay $0x3  }
0x33: {  	p0 =	seq.s32 s10, $0x1;
	s10 =	sld [smem:$0x3FBB];
	_ =	sdelay $0x3  }
0x34: {  	[smem:$0x3FBB] =	sst s10  }
0x35: {  	s10 =	sld [smem:$0x3FBA];
	_ =	sdelay $0x3  }
0x36: {  	p1 =	seq.s32 s10, $0x1;
	s10 =	sld [smem:$0x3FBB];
	_ =	sdelay $0x3  }
0x37: {  	[smem:$0x3FBB] =	sst s10  }
0x38: {  	s10 =	sld [smem:$0x3FBC]  }
0x39: {  	_ = 	snop;
	(pc) =	sbr.ind lr, $3  }
0x3a: {  	_ = 	snop  }
0x3b: {  	_ = 	snop  }
0x3c: {  	p2 =	seq.s32 s10, $0x1;
	s10 =	sld [smem:$0x3FBB]  }
0x3d: {  	_ =	shalt  }
0x3e: {  	_ =	shalt  }
0x3f: {  	_ =	shalt  }
0x40: {  	_ =	shalt  }
0x41: {  	_ =	shalt  }
0x42: {  	_ =	shalt  }
0x43: {  	_ =	shalt  }
0x44: {  	_ =	shalt  }
0x45: {  	_ =	shalt  }
0x46: {  	_ =	shalt  }
0x47: {  	_ =	shalt  }
0x48: {  	_ =	shalt  }
0x49: {  	_ =	shalt  }
0x4a: {  	_ =	shalt  }
0x4b: {  	_ =	shalt  }
0x4c: {  	_ =	shalt  }
0x4d: {  	_ =	shalt  }
0x4e: {  	_ =	shalt  }
0x4f: {  	_ =	shalt  }
0x50: {  	_ =	shalt  }
0x51: {  	_ =	shalt  }
0x52: {  	_ =	shalt  }
0x53: {  	_ =	shalt  }
0x54: {  	_ =	shalt  }
0x55: {  	_ =	shalt  }
0x56: {  	_ =	shalt  }
0x57: {  	_ =	shalt  }
0x58: {  	_ =	shalt  }
0x59: {  	_ =	shalt  }
0x5a: {  	_ =	shalt  }
0x5b: {  	_ =	shalt  }
0x5c: {  	_ =	shalt  }
0x5d: {  	_ =	shalt  }
0x5e: {  	_ =	shalt  }
0x5f: {  	_ =	shalt  }
0x60: {  	_ =	shalt  }
0x61: {  	_ =	shalt  }
0x62: {  	_ =	shalt  }
0x63: {  	_ =	shalt  }
0x64: {  	_ =	shalt  }
0x65: {  	_ =	shalt  }
0x66: {  	_ =	shalt  }
0x67: {  	_ =	shalt  }
0x68: {  	_ =	shalt  }
0x69: {  	_ =	shalt  }
0x6a: {  	_ =	shalt  }
0x6b: {  	_ =	shalt  }
0x6c: {  	_ =	shalt  }
0x6d: {  	_ =	shalt  }
0x6e: {  	_ =	shalt  }
0x6f: {  	_ =	shalt  }
0x70: {  	_ =	shalt  }
0x71: {  	_ =	shalt  }
0x72: {  	_ =	shalt  }
0x73: {  	_ =	shalt  }
0x74: {  	_ =	shalt  }
0x75: {  	_ =	shalt  }
0x76: {  	_ =	shalt  }
0x77: {  	_ =	shalt  }
0x78: {  	_ =	shalt  }
0x79: {  	_ =	shalt  }
0x7a: {  	_ =	shalt  }
0x7b: {  	_ =	shalt  }
0x7c: {  	_ =	shalt  }
0x7d: {  	_ =	shalt  }
0x7e: {  	_ =	shalt  }
0x7f: {  	_ =	shalt  }
0x80: {  	_ =	shalt  }
0x81: {  	_ =	shalt  }
0x82: {  	_ =	shalt  }
0x83: {  	_ =	shalt  }
0x84: {  	_ =	shalt  }
0x85: {  	_ =	shalt  }
0x86: {  	_ =	shalt  }
0x87: {  	_ =	shalt  }
.Lfunc_end0:
.L_simem_size_0:
called_computation_lowered:
.L_overlay_start_0:
0x88: {  	s2 =	sld [smem:$0x3FD9]  }
0x89: {  	s3 =	sld [smem:$0x3FFE];
	_ =	sdelay $0x1  }
0x8a: {  	s1 =	srdreg.scid  }
0x8b: {  	s0 =	sand.u32 $0x1, s1  }
0x8c: {  	s17 =	sshll.u32 s0, $0xA;
	s2 =	sadd.s32 s3, s2  }
0x8d: {  	s2 =	sadd.s32 s2, s17  }
0x8e: {  	[smem:$0x3FC7] =	sst s2  }
0x8f: {  	_ = 	snop  }
0x90: {  	s2 =	sld [smem:$0x3FD0];
	(tm) =	ssettm $0x1  }
0x91: {  	s18 =	sld [smem:$0x3FFB];
	_ =	sdelay $0x3  }
0x92: {  	_ =	strace s18  }
0x93: {  	s3 =	sld [smem:$0x3FFC];
	_ =	sdelay $0x3  }
0x94: {  	_ =	strace s3  }
0x95: {  	s3 =	sld [smem:$0x3FFD];
	_ =	sdelay $0x3  }
0x96: {  	_ =	strace s3  }
0x97: {  	_ =	strace $0x8FFFFFFF  }
0x98: {  	s19 =	sld [smem:$0x3FDB];
	_ =	sdelay $0x1  }
0x99: {  	s4 =	simm.s32 $_scs_section_size  }
0x9a: {  	s5 =	simm.s32 $_size__tile_overlayer_lowered;
	s6 =	simm.s32 $_tile_overlayer_lowered  }
0x9b: {  	s22 =	simm.s32 $0x1BFF;
	s21 =	sshll.u32 s6, $0x1;
	s3 =	sadd.s32 s4, s19  }
0x9c: {  	s7 =	simm.s32 $0x0;
	s20 =	sshll.u32 s5, $0x1;
	s5 =	sadd.s32 s21, s3  }
0x9d: {  	[timem:s7], [sflag:s22] =	dma.local [hbm:s5], s20  }
0x9e: {  	_ =	swait.ge [sflag:s22], s20  }
0x9f: {  	s4 =	ssub.s32 $0x0, s20;
	[sflag:s22] =	ssyncset.done $0x0  }
0xa0: {  	[sflag:s22] =	ssyncadd.s32 s4;
	_ =	sdelay $0x1  }
0xa1: {  	s23 =	simm.s32 $0x1B8B  }
0xa2: {  	_ =	swait.ge [sflag:s23], $0x1  }
0xa3: {  	[sflag:s23] =	ssyncset.done $0x0  }
0xa4: {  	s25 =	simm.s32 $0x1B8E;
	s24 =	sld [smem:$0x3FFE];
	[sflag:s23] =	ssyncadd.s32 $0xFFFFFFFF  }
0xa5: {  	s26 =	simm.s32 $execute0_lowered;
	[smem:$0x3FD2] =	sst s25  }
0xa6: {  	s5 =	sshll.u32 s26, $0x1;
	_ =	strace $0x80000046;
	[dreg:$0x1] =	wrdreg $0xFFFFFFFF  }
0xa7: {  	s28 =	simm.s32 $_size_execute0_lowered;
	s3 =	sadd.s32 s3, s5;
	[dreg:$0x0] =	wrdreg $0x0  }
0xa8: {  	s5 =	sshll.u32 s28, $0x1;
	[dreg:$0x2] =	wrdreg s3  }
0xa9: {  	[dreg:$0x3] =	wrdreg s5  }
0xaa: {  	[dreg:$0x4] =	wrdreg $0xC0  }
0xab: {  	_ =	task [dreg:s7], $0x5FFFF  }
0xac: {  	[dreg:$0x1] =	wrdreg $0xFFFFFFFF  }
0xad: {  	[dreg:$0x0] =	wrdreg $0x60  }
0xae: {  	[dreg:$0x2] =	wrdreg s24  }
0xaf: {  	[dreg:$0x3] =	wrdreg s2  }
0xb0: {  	[dreg:$0x4] =	wrdreg $0x9  }
0xb1: {  	_ =	task.clear_ibuf [dreg:s7], $0x5FFFF;
	_ =	strace $0x90000046  }
0xb2: {  	s29 =	simm.s32 $0x9;
	_ =	strace $0x80000048  }
0xb3: {  	_ =	swait.ge [sflag:s29], $0x1  }
0xb4: {  	[sflag:s29] =	ssyncadd.s32 $0xFFFFFFFF  }
0xb5: {  	_ =	strace $0x90000048  }
0xb6: {  	_ =	sfence  }
0xb7: {  	s30 =	sld [smem:$0x0];
	_ =	sdelay $0x2  }
0xb8: {  	s31 =	sshll.u32 s1, $0xD;
	s1 =	sshrl.u32 s1, $0x2  }
0xb9: {  	s3 =	sand.u32 $0x4000, s31;
	s1 =	sadd.s32 s1, s30  }
0xba: {  	s0 =	sor.u32 s3, s0;
	s1 =	sshll.u32 s1, $0x11  }
0xbb: {  	s0 =	sor.u32 s1, s0  }
0xbc: {  	s0 =	sadd.s32 $0x8F2B, s0  }
0xbd: {  	[sflag:s0] =	ssyncadd.remote.s32 $0x1  }
0xbe: {  	_ =	sfence.sel $0xFFFF  }
0xbf: {  	[dreg:$0x0] =	wrdreg $0xFFFFFFFF;
	(pc) =	sbr.abs _section_cstart, $3  }
0xc0: {  	[dreg:$0x1] =	wrdreg $0xFFFFFFFF  }
0xc1: {  	_ =	task.clear_ibuf [dreg:s7], $0x2FFFF;
	_ =	strace $0x9FFFFFFF  }
0xc2: {  	(tm) =	ssettm $0x7FFFFFFF  }
0xc3: {  	_ =	shalt  }
tec
execute0_lowered:
.L_overlay_start_1:
0x0: {  	(tag) =	ssettag $0x1  }
0x1: {  	s0 =	rddreg [dreg:$0x0];
	s1 =	srdreg.scid  }
0x2: {  	s3 =	rddreg [dreg:$0x1];
	s2 =	stileid.u32  }
0x3: {  	s28 =	simm.s32 $0x8000;
	s29 =	simm.s32 $0x1E00;
	s1 =	sand.u32 $0x1, s1  }
0x4: {  	s30 =	simm.s32 $0x1;
	s4 =	sshll.u32 s2, $0x8;
	s5 =	sshll.u32 s1, $0x7  }
0x5: {  	s31 =	simm.s32 $0x2;
	s2 =	simm.s32 $0x0;
	s4 =	sor.u32 s5, s4  }
0x6: {  	s1 =	ssub.s32 $0x2, s1;
	[smem:$0x7FF] =	sst s2;
	s5 =	sshrl.u32 s4, $0x3  }
0x7: {  	s6 =	sshrl.u32 s1, $0x1;
	_ =	strace $0x80000047;
	s0 =	sadd.s32 s5, s0  }
0x8: {  	s1 =	ssub.s32 s1, s6;
	s5 =	sadd.s32 $0x400, s0;
	s22 =	sadd.s32 $0x600, s0  }
0x9: {  	s23 =	sadd.s32 $0x800, s0;
	s24 =	sadd.s32 $0xA00, s0;
	s25 =	sadd.s32 $0xC00, s0  }
0xa: {  	s26 =	sadd.s32 $0xE00, s0;
	s9 =	sadd.s32 $0x1000, s0;
	s10 =	sadd.s32 $0x1200, s0  }
0xb: {  	s11 =	sadd.s32 $0x1400, s0;
	s12 =	sadd.s32 $0x1600, s0;
	[dreg:$0x3] =	wrdreg s5  }
0xc: {  	s13 =	sadd.s32 $0x1800, s0;
	s14 =	sadd.s32 $0x1A00, s0;
	[dreg:$0x4] =	wrdreg s22  }
0xd: {  	v0 =	vimm.f32 $0.0e+00;
	v1 =	vlaneseq.u32;
	v2 =	vimm.f32 $1.000000000e+00;
	s15 =	sadd.s32 $0x1C00, s0;
	s16 =	sadd.s32 $0x1E00, s0;
	[dreg:$0x5] =	wrdreg s23  }
0xe: {  	v3 =	vor.u32 $0x10, v1;
	v4 =	vor.u32 $0x20, v1;
	v5 =	vor.u32 $0x30, v1;
	s17 =	sadd.s32 $0x2000, s0;
	s18 =	sadd.s32 $0x2200, s0;
	[dreg:$0x6] =	wrdreg s24  }
0xf: {  	v6 =	vor.u32 $0x40, v1;
	v7 =	vor.u32 $0x50, v1;
	v8 =	vor.u32 $0x60, v1;
	s19 =	sadd.s32 $0x2400, s0;
	s20 =	sadd.s32 $0x2600, s0;
	[dreg:$0x7] =	wrdreg s25  }
0x10: {  	v9 =	vor.u32 $0x70, v1;
	v10 =	vor.u32 $0xFFFFEC00, v1;
	v11 =	vor.u32 $0xFFFFEC10, v1;
	s21 =	sadd.s32 $0x2800, s0;
	[dreg:$0x8] =	wrdreg s26;
	s22 =	sadd.s32 $0x2A00, s0  }
0x11: {  	v12 =	vor.u32 $0xFFFFEC20, v1;
	v13 =	vor.u32 $0xFFFFEC30, v1;
	v14 =	vor.u32 $0xFFFFEC40, v1;
	s23 =	sadd.s32 s3, s4;
	s25 =	smax.u32 s1, $0x1;
	s26 =	simm.s32 $0x400  }
0x12: {  	v15 =	vor.u32 $0xFFFFEC50, v1;
	v16 =	vor.u32 $0xFFFFEC60, v1;
	v17 =	vor.u32 $0xFFFFEC70, v1;
	s1 =	simm.s32 $0xA00;
	s0 =	simm.s32 $0x0;
	s24 =	sadd.s32 $0x5000, s23  }
.LBB2_1:
0x13: {  	s3 =	rddreg [dreg:$0x3]  }
0x14: {  	[tilespmem:s2], [sflag:$0x1] =	stream.linear.gather [hbm4b:s3+s2], $0x80, $0x38;
	[tilespmem:$0x3200] =	vst v63  }
0x15: {  	s6 =	rddreg [dreg:$0x4];
	s4 =	simm.s32 $0x80  }
0x16: {  	[tilespmem:s4], [sflag:$0x1] =	stream.linear.gather [hbm4b:s6+s2], $0x80, $0x38;
	[tilespmem:$0x3200] =	vst v63  }
0x17: {  	s7 =	rddreg [dreg:$0x5];
	s8 =	simm.s32 $0x100  }
0x18: {  	[tilespmem:s8], [sflag:$0x1] =	stream.linear.gather [hbm4b:s7+s2], $0x80, $0x38;
	[tilespmem:$0x3200] =	vst v63  }
0x19: {  	s5 =	rddreg [dreg:$0x6];
	s6 =	simm.s32 $0x180  }
0x1a: {  	[tilespmem:s6], [sflag:$0x1] =	stream.linear.gather [hbm4b:s5+s2], $0x80, $0x38;
	[tilespmem:$0x3200] =	vst v63  }
0x1b: {  	s7 =	rddreg [dreg:$0x7];
	s8 =	simm.s32 $0x200  }
0x1c: {  	[tilespmem:s8], [sflag:$0x1] =	stream.linear.gather [hbm4b:s7+s2], $0x80, $0x38;
	[tilespmem:$0x3200] =	vst v63  }
0x1d: {  	s4 =	rddreg [dreg:$0x8];
	s5 =	simm.s32 $0x280  }
0x1e: {  	[tilespmem:s5], [sflag:$0x1] =	stream.linear.gather [hbm4b:s4+s2], $0x80, $0x38;
	[tilespmem:$0x3200] =	vst v63  }
0x1f: {  	s6 =	simm.s32 $0x300  }
0x20: {  	[tilespmem:s6], [sflag:$0x1] =	stream.linear.gather [hbm4b:s9+s2], $0x80, $0x38;
	[tilespmem:$0x3200] =	vst v63  }
0x21: {  	s7 =	simm.s32 $0x380  }
0x22: {  	[tilespmem:s7], [sflag:$0x1] =	stream.linear.gather [hbm4b:s10+s2], $0x80, $0x38;
	[tilespmem:$0x3200] =	vst v63  }
0x23: {  	_ = 	snop  }
0x24: {  	[tilespmem:s26], [sflag:$0x1] =	stream.linear.gather [hbm4b:s11+s2], $0x80, $0x38;
	[tilespmem:$0x3200] =	vst v63  }
0x25: {  	s8 =	simm.s32 $0x480  }
0x26: {  	[tilespmem:s8], [sflag:$0x1] =	stream.linear.gather [hbm4b:s12+s2], $0x80, $0x38;
	[tilespmem:$0x3200] =	vst v63  }
0x27: {  	s4 =	simm.s32 $0x500  }
0x28: {  	[tilespmem:s4], [sflag:$0x1] =	stream.linear.gather [hbm4b:s13+s2], $0x80, $0x38;
	[tilespmem:$0x3200] =	vst v63  }
0x29: {  	s5 =	simm.s32 $0x580  }
0x2a: {  	[tilespmem:s5], [sflag:$0x1] =	stream.linear.gather [hbm4b:s14+s2], $0x80, $0x38;
	[tilespmem:$0x3200] =	vst v63  }
0x2b: {  	s6 =	simm.s32 $0x600  }
0x2c: {  	[tilespmem:s6], [sflag:$0x1] =	stream.linear.gather [hbm4b:s15+s2], $0x80, $0x38;
	[tilespmem:$0x3200] =	vst v63  }
0x2d: {  	s7 =	simm.s32 $0x680  }
0x2e: {  	[tilespmem:s7], [sflag:$0x1] =	stream.linear.gather [hbm4b:s16+s2], $0x80, $0x38;
	[tilespmem:$0x3200] =	vst v63  }
0x2f: {  	s8 =	simm.s32 $0x700  }
0x30: {  	[tilespmem:s8], [sflag:$0x1] =	stream.linear.gather [hbm4b:s17+s2], $0x80, $0x38;
	[tilespmem:$0x3200] =	vst v63  }
0x31: {  	s4 =	simm.s32 $0x780  }
0x32: {  	[tilespmem:s4], [sflag:$0x1] =	stream.linear.gather [hbm4b:s18+s2], $0x80, $0x38;
	[tilespmem:$0x3200] =	vst v63  }
0x33: {  	s5 =	simm.s32 $0x800  }
0x34: {  	[tilespmem:s5], [sflag:$0x1] =	stream.linear.gather [hbm4b:s19+s2], $0x80, $0x38;
	[tilespmem:$0x3200] =	vst v63  }
0x35: {  	s6 =	simm.s32 $0x880  }
0x36: {  	[tilespmem:s6], [sflag:$0x1] =	stream.linear.gather [hbm4b:s20+s2], $0x80, $0x38;
	[tilespmem:$0x3200] =	vst v63  }
0x37: {  	s7 =	simm.s32 $0x900  }
0x38: {  	[tilespmem:s7], [sflag:$0x1] =	stream.linear.gather [hbm4b:s21+s2], $0x80, $0x38;
	[tilespmem:$0x3200] =	vst v63  }
0x39: {  	s3 =	simm.s32 $0x0;
	s8 =	simm.s32 $0x980;
	s4 =	simm.s32 $0x200  }
0x3a: {  	[tilespmem:s8], [sflag:$0x1] =	stream.linear.gather [hbm4b:s22+s2], $0x80, $0x38;
	[tilespmem:$0x3200] =	vst v63  }
.LBB2_2:
0x3b: {  	p0 =	sne.s32 s4, $0x4E00;
	[tilespmem:s3+$0x1E70] =	vst v0  }
0x3c: {  	[tilespmem:s3+$0xA00] =	vst v0  }
0x3d: {  	[tilespmem:s3+$0x1E00] =	vst v0  }
0x3e: {  	[tilespmem:s3+$0xA10] =	vst v0  }
0x3f: {  	[tilespmem:s3+$0x1E10] =	vst v0  }
0x40: {  	[tilespmem:s3+$0xA20] =	vst v0  }
0x41: {  	[tilespmem:s3+$0x1E20] =	vst v0  }
0x42: {  	[tilespmem:s3+$0xA30] =	vst v0  }
0x43: {  	[tilespmem:s3+$0x1E30] =	vst v0  }
0x44: {  	[tilespmem:s3+$0xA40] =	vst v0  }
0x45: {  	[tilespmem:s3+$0x1E40] =	vst v0  }
.Ltmp0:
0x46: {  	[tilespmem:s3+$0xA50] =	vst v0;
	(pc) =	sbr.rel @p0 .LBB2_2-.Ltmp0, $4  }
0x47: {  	[tilespmem:s3+$0x1E50] =	vst v0  }
0x48: {  	[tilespmem:s3+$0xA60] =	vst v0  }
0x49: {  	[tilespmem:s3+$0x1E60] =	vst v0  }
0x4a: {  	[tilespmem:s3+$0xA70] =	vst v0;
	s3 =	sshra.s32 s4, $0x2;
	s4 =	sadd.s32 $0x200, s4  }
0x4b: {  	[tilespmem:s3+$0x1E70] =	vst v0  }
0x4c: {  	[tilespmem:s3+$0xA00] =	vst v0  }
0x4d: {  	[tilespmem:s3+$0x1E00] =	vst v0  }
0x4e: {  	[tilespmem:s3+$0xA10] =	vst v0  }
0x4f: {  	[tilespmem:s3+$0x1E10] =	vst v0  }
0x50: {  	[tilespmem:s3+$0xA20] =	vst v0  }
0x51: {  	[tilespmem:s3+$0x1E20] =	vst v0  }
0x52: {  	[tilespmem:s3+$0xA30] =	vst v0  }
0x53: {  	[tilespmem:s3+$0x1E30] =	vst v0  }
0x54: {  	[tilespmem:s3+$0xA40] =	vst v0  }
0x55: {  	[tilespmem:s3+$0x1E40] =	vst v0  }
0x56: {  	[tilespmem:s3+$0xA50] =	vst v0  }
0x57: {  	[tilespmem:s3+$0x1E50] =	vst v0  }
0x58: {  	[tilespmem:s3+$0xA60] =	vst v0  }
0x59: {  	[tilespmem:s3+$0x1E60] =	vst v0  }
0x5a: {  	[tilespmem:s3+$0xA70] =	vst v0;
	s3 =	simm.s32 $0x1  }
0x5b: {  	_ =	swait.ge [sflag:s3], $0x80  }
0x5c: {  	[sflag:s3] =	ssyncset.done $0x0  }
0x5d: {  	[sflag:s3] =	ssyncadd.s32 $0xFFFFFF80  }
0x5e: {  	_ =	swait.ge [sflag:s3], $0x80  }
0x5f: {  	[sflag:s3] =	ssyncset.done $0x0  }
0x60: {  	[sflag:s3] =	ssyncadd.s32 $0xFFFFFF80  }
0x61: {  	_ =	swait.ge [sflag:s3], $0x80  }
0x62: {  	[sflag:s3] =	ssyncset.done $0x0  }
0x63: {  	[sflag:s3] =	ssyncadd.s32 $0xFFFFFF80  }
0x64: {  	_ =	swait.ge [sflag:s3], $0x80  }
0x65: {  	[sflag:s3] =	ssyncset.done $0x0  }
0x66: {  	[sflag:s3] =	ssyncadd.s32 $0xFFFFFF80  }
0x67: {  	_ =	swait.ge [sflag:s3], $0x80  }
0x68: {  	[sflag:s3] =	ssyncset.done $0x0  }
0x69: {  	[sflag:s3] =	ssyncadd.s32 $0xFFFFFF80  }
0x6a: {  	_ =	swait.ge [sflag:s3], $0x80  }
0x6b: {  	[sflag:s3] =	ssyncset.done $0x0  }
0x6c: {  	[sflag:s3] =	ssyncadd.s32 $0xFFFFFF80  }
0x6d: {  	_ =	swait.ge [sflag:s3], $0x80  }
0x6e: {  	[sflag:s3] =	ssyncset.done $0x0  }
0x6f: {  	[sflag:s3] =	ssyncadd.s32 $0xFFFFFF80  }
0x70: {  	_ =	swait.ge [sflag:s3], $0x80  }
0x71: {  	[sflag:s3] =	ssyncset.done $0x0  }
0x72: {  	[sflag:s3] =	ssyncadd.s32 $0xFFFFFF80  }
0x73: {  	_ =	swait.ge [sflag:s3], $0x80  }
0x74: {  	[sflag:s3] =	ssyncset.done $0x0  }
0x75: {  	[sflag:s3] =	ssyncadd.s32 $0xFFFFFF80  }
0x76: {  	_ =	swait.ge [sflag:s3], $0x80  }
0x77: {  	[sflag:s3] =	ssyncset.done $0x0  }
0x78: {  	[sflag:s3] =	ssyncadd.s32 $0xFFFFFF80  }
0x79: {  	_ =	swait.ge [sflag:s3], $0x80  }
0x7a: {  	[sflag:s3] =	ssyncset.done $0x0  }
0x7b: {  	[sflag:s3] =	ssyncadd.s32 $0xFFFFFF80  }
0x7c: {  	_ =	swait.ge [sflag:s3], $0x80  }
0x7d: {  	[sflag:s3] =	ssyncset.done $0x0  }
0x7e: {  	[sflag:s3] =	ssyncadd.s32 $0xFFFFFF80  }
0x7f: {  	_ =	swait.ge [sflag:s3], $0x80  }
0x80: {  	[sflag:s3] =	ssyncset.done $0x0  }
0x81: {  	[sflag:s3] =	ssyncadd.s32 $0xFFFFFF80  }
0x82: {  	_ =	swait.ge [sflag:s3], $0x80  }
0x83: {  	[sflag:s3] =	ssyncset.done $0x0  }
0x84: {  	[sflag:s3] =	ssyncadd.s32 $0xFFFFFF80  }
0x85: {  	_ =	swait.ge [sflag:s3], $0x80  }
0x86: {  	[sflag:s3] =	ssyncset.done $0x0  }
0x87: {  	[sflag:s3] =	ssyncadd.s32 $0xFFFFFF80  }
0x88: {  	_ =	swait.ge [sflag:s3], $0x80  }
0x89: {  	[sflag:s3] =	ssyncset.done $0x0  }
0x8a: {  	[sflag:s3] =	ssyncadd.s32 $0xFFFFFF80  }
0x8b: {  	_ =	swait.ge [sflag:s3], $0x80  }
0x8c: {  	[sflag:s3] =	ssyncset.done $0x0  }
0x8d: {  	[sflag:s3] =	ssyncadd.s32 $0xFFFFFF80  }
0x8e: {  	_ =	swait.ge [sflag:s3], $0x80  }
0x8f: {  	[sflag:s3] =	ssyncset.done $0x0  }
0x90: {  	[sflag:s3] =	ssyncadd.s32 $0xFFFFFF80  }
0x91: {  	_ =	swait.ge [sflag:s3], $0x80  }
0x92: {  	[sflag:s3] =	ssyncset.done $0x0  }
0x93: {  	[sflag:s3] =	ssyncadd.s32 $0xFFFFFF80  }
0x94: {  	_ =	swait.ge [sflag:s3], $0x80  }
0x95: {  	[sflag:s3] =	ssyncset.done $0x0  }
0x96: {  	[sflag:s3] =	ssyncadd.s32 $0xFFFFFF80  }
0x97: {  	v18 =	vld [tilespmem:$0x0];
	_ =	sdelay $0x4  }
0x98: {  	vm0 =	vlt.u32 v18, $0x28;
	v18 =	vshll.u32 v18, $0x7  }
0x99: {  	v18 =	vor.u32 v1, v18;
	_ =	sdelay $0x4  }
0x9a: {  	[tilespmem:v18+s1+$0x0] =	vst.idx.msk vm0, v2  }
0x9b: {  	v18 =	vld [tilespmem:$0x10];
	_ =	sdelay $0x4  }
0x9c: {  	vm13 =	vlt.u32 v18, $0x28;
	v18 =	vshll.u32 v18, $0x7  }
0x9d: {  	v18 =	vor.u32 v3, v18;
	_ =	sdelay $0x4  }
0x9e: {  	[tilespmem:v18+s1+$0x0] =	vst.idx.msk vm13, v2  }
0x9f: {  	v18 =	vld [tilespmem:$0x20];
	_ =	sdelay $0x4  }
0xa0: {  	vm14 =	vlt.u32 v18, $0x28;
	v18 =	vshll.u32 v18, $0x7  }
0xa1: {  	v18 =	vor.u32 v4, v18;
	_ =	sdelay $0x4  }
0xa2: {  	[tilespmem:v18+s1+$0x0] =	vst.idx.msk vm14, v2  }
0xa3: {  	v18 =	vld [tilespmem:$0x30];
	_ =	sdelay $0x4  }
0xa4: {  	vm15 =	vlt.u32 v18, $0x28;
	v18 =	vshll.u32 v18, $0x7  }
0xa5: {  	v18 =	vor.u32 v5, v18;
	_ =	sdelay $0x4  }
0xa6: {  	[tilespmem:v18+s1+$0x0] =	vst.idx.msk vm15, v2  }
0xa7: {  	v18 =	vld [tilespmem:$0x40];
	_ =	sdelay $0x4  }
0xa8: {  	vm4 =	vlt.u32 v18, $0x28;
	v18 =	vshll.u32 v18, $0x7  }
0xa9: {  	v18 =	vor.u32 v6, v18;
	_ =	sdelay $0x4  }
0xaa: {  	[tilespmem:v18+s1+$0x0] =	vst.idx.msk vm4, v2  }
0xab: {  	v18 =	vld [tilespmem:$0x50];
	_ =	sdelay $0x4  }
0xac: {  	vm5 =	vlt.u32 v18, $0x28;
	v18 =	vshll.u32 v18, $0x7  }
0xad: {  	v18 =	vor.u32 v7, v18;
	_ =	sdelay $0x4  }
0xae: {  	[tilespmem:v18+s1+$0x0] =	vst.idx.msk vm5, v2  }
0xaf: {  	v18 =	vld [tilespmem:$0x60];
	_ =	sdelay $0x4  }
0xb0: {  	vm6 =	vlt.u32 v18, $0x28;
	v18 =	vshll.u32 v18, $0x7  }
0xb1: {  	v18 =	vor.u32 v8, v18;
	_ =	sdelay $0x4  }
0xb2: {  	[tilespmem:v18+s1+$0x0] =	vst.idx.msk vm6, v2  }
0xb3: {  	v18 =	vld [tilespmem:$0x70];
	_ =	sdelay $0x4  }
0xb4: {  	vm7 =	vlt.u32 v18, $0x28;
	v18 =	vshll.u32 v18, $0x7  }
0xb5: {  	v18 =	vor.u32 v9, v18;
	_ =	sdelay $0x4  }
0xb6: {  	[tilespmem:v18+s1+$0x0] =	vst.idx.msk vm7, v2  }
0xb7: {  	[hbm4b:s23+s26] =	stream.strided.scatter [tilespmem:s1], [sflag:$0x1], $0x1400, s28, s26, $0x38;
	[tilespmem:$0x3200] =	vst v63  }
0xb8: {  	v18 =	vld [tilespmem:$0x0];
	_ =	sdelay $0x4  }
0xb9: {  	v19 =	vadd.s32 $0xFFFFFFD8, v18  }
0xba: {  	v18 =	vshll.u32 v18, $0x7;
	vm8 =	vlt.u32 v19, $0x28  }
0xbb: {  	v18 =	vadd.s32 v10, v18;
	_ =	sdelay $0x4  }
0xbc: {  	[tilespmem:v18+s29+$0x0] =	vst.idx.msk vm8, v2  }
0xbd: {  	v18 =	vld [tilespmem:$0x10];
	_ =	sdelay $0x4  }
0xbe: {  	v19 =	vadd.s32 $0xFFFFFFD8, v18  }
0xbf: {  	v18 =	vshll.u32 v18, $0x7;
	vm9 =	vlt.u32 v19, $0x28  }
0xc0: {  	v18 =	vadd.s32 v11, v18;
	_ =	sdelay $0x4  }
0xc1: {  	[tilespmem:v18+s29+$0x0] =	vst.idx.msk vm9, v2  }
0xc2: {  	v18 =	vld [tilespmem:$0x20];
	_ =	sdelay $0x4  }
0xc3: {  	v19 =	vadd.s32 $0xFFFFFFD8, v18  }
0xc4: {  	v18 =	vshll.u32 v18, $0x7;
	vm10 =	vlt.u32 v19, $0x28  }
0xc5: {  	v18 =	vadd.s32 v12, v18;
	_ =	sdelay $0x4  }
0xc6: {  	[tilespmem:v18+s29+$0x0] =	vst.idx.msk vm10, v2  }
0xc7: {  	v18 =	vld [tilespmem:$0x30];
	_ =	sdelay $0x4  }
0xc8: {  	v19 =	vadd.s32 $0xFFFFFFD8, v18  }
0xc9: {  	v18 =	vshll.u32 v18, $0x7;
	vm11 =	vlt.u32 v19, $0x28  }
0xca: {  	v18 =	vadd.s32 v13, v18;
	_ =	sdelay $0x4  }
0xcb: {  	[tilespmem:v18+s29+$0x0] =	vst.idx.msk vm11, v2  }
0xcc: {  	v18 =	vld [tilespmem:$0x40];
	_ =	sdelay $0x4  }
0xcd: {  	v19 =	vadd.s32 $0xFFFFFFD8, v18  }
0xce: {  	v18 =	vshll.u32 v18, $0x7;
	vm12 =	vlt.u32 v19, $0x28  }
0xcf: {  	v18 =	vadd.s32 v14, v18;
	_ =	sdelay $0x4  }
0xd0: {  	[tilespmem:v18+s29+$0x0] =	vst.idx.msk vm12, v2  }
0xd1: {  	v18 =	vld [tilespmem:$0x50];
	_ =	sdelay $0x4  }
0xd2: {  	v19 =	vadd.s32 $0xFFFFFFD8, v18  }
0xd3: {  	v18 =	vshll.u32 v18, $0x7;
	vm13 =	vlt.u32 v19, $0x28  }
0xd4: {  	v18 =	vadd.s32 v15, v18;
	_ =	sdelay $0x4  }
0xd5: {  	[tilespmem:v18+s29+$0x0] =	vst.idx.msk vm13, v2  }
0xd6: {  	v18 =	vld [tilespmem:$0x60];
	_ =	sdelay $0x4  }
0xd7: {  	v19 =	vadd.s32 $0xFFFFFFD8, v18  }
0xd8: {  	v18 =	vshll.u32 v18, $0x7;
	vm14 =	vlt.u32 v19, $0x28  }
0xd9: {  	v18 =	vadd.s32 v16, v18;
	_ =	sdelay $0x4  }
0xda: {  	[tilespmem:v18+s29+$0x0] =	vst.idx.msk vm14, v2  }
0xdb: {  	v18 =	vld [tilespmem:$0x70];
	_ =	sdelay $0x4  }
0xdc: {  	v19 =	vadd.s32 $0xFFFFFFD8, v18  }
0xdd: {  	v18 =	vshll.u32 v18, $0x7;
	vm15 =	vlt.u32 v19, $0x28  }
0xde: {  	v18 =	vadd.s32 v17, v18;
	_ =	sdelay $0x4  }
0xdf: {  	[tilespmem:v18+s29+$0x0] =	vst.idx.msk vm15, v2  }
0xe0: {  	[hbm4b:s24+s26] =	stream.strided.scatter [tilespmem:s29], [sflag:$0x2], $0x1400, s28, s26, $0x38;
	[tilespmem:$0x3200] =	vst v63  }
.LBB2_4:
0xe1: {  	s4 =	sshll.u32 s3, $0x1  }
0xe2: {  	s5 =	sadd.s32 $0xFFFFFFFE, s4  }
0xe3: {  	s6 =	sshll.u32 s5, $0x10  }
0xe4: {  	s6 =	sshra.s32 s6, $0x10  }
0xe5: {  	s6 =	smul.u32 $0x147B, s6;
	_ =	sdelay $0x1  }
0xe6: {  	s7 =	sshrl.u32 s6, $0x1F;
	s6 =	sshra.s32 s6, $0x11  }
0xe7: {  	s6 =	sadd.s32 s7, s6  }
0xe8: {  	s7 =	smul.u32 $0xFFFFFFE7, s6;
	_ =	sdelay $0x1  }
0xe9: {  	s5 =	sadd.s32 s5, s7  }
0xea: {  	s7 =	sand.u32 $0xFFFF, s5  }
0xeb: {  	p0 =	slt.u32 s3, $0x2;
	p1 =	sne.s32 s7, $0x0  }
0xec: {  	p0 =	por !p0, !p1  }
0xed: {  	s7 =	simm.s32 $0x1;
	p0 =	por !p0, !p0  }
0xee: {  	s7 =	simm.s32 @!p0 $0x0  }
0xef: {  	_ =	swait.ge [sflag:s30], $0x1400;
	s6 =	ssub.s32 s6, s7  }
0xf0: {  	[sflag:s30] =	ssyncset.done $0x0;
	s5 =	sshll.u32 s5, $0x10;
	s6 =	sshll.u32 s6, $0x9  }
0xf1: {  	[sflag:s30] =	ssyncadd.s32 $0xFFFFEC00;
	s5 =	sshra.s32 s5, $0x10;
	s6 =	sshra.s32 s6, $0x2  }
0xf2: {  	p0 =	slt.s32 s5, $0x0;
	s7 =	sadd.s32 $0x19, s5;
	v18 =	vld [tilespmem:s6+$0x0]  }
0xf3: {  	s5 =	smov.u32 @p0 s7  }
0xf4: {  	s5 =	smul.u32 $0x28, s5;
	_ =	sdelay $0x1  }
0xf5: {  	v19 =	vmov s5  }
0xf6: {  	v18 =	vsub.s32 v18, v19  }
0xf7: {  	vm0 =	vlt.u32 v18, $0x28;
	v18 =	vshll.u32 v18, $0x7  }
0xf8: {  	v18 =	vor.u32 v1, v18;
	_ =	sdelay $0x4  }
0xf9: {  	[tilespmem:v18+s1+$0x0] =	vst.idx.msk vm0, v0  }
0xfa: {  	v18 =	vld [tilespmem:s6+$0x10];
	_ =	sdelay $0x4  }
0xfb: {  	v18 =	vsub.s32 v18, v19  }
0xfc: {  	vm9 =	vlt.u32 v18, $0x28;
	v18 =	vshll.u32 v18, $0x7  }
0xfd: {  	v18 =	vor.u32 v3, v18;
	_ =	sdelay $0x4  }
0xfe: {  	[tilespmem:v18+s1+$0x0] =	vst.idx.msk vm9, v0  }
0xff: {  	v18 =	vld [tilespmem:s6+$0x20];
	_ =	sdelay $0x4  }
0x100: {  	v18 =	vsub.s32 v18, v19  }
0x101: {  	vm10 =	vlt.u32 v18, $0x28;
	v18 =	vshll.u32 v18, $0x7  }
0x102: {  	v18 =	vor.u32 v4, v18;
	_ =	sdelay $0x4  }
0x103: {  	[tilespmem:v18+s1+$0x0] =	vst.idx.msk vm10, v0  }
0x104: {  	v18 =	vld [tilespmem:s6+$0x30];
	_ =	sdelay $0x4  }
0x105: {  	v18 =	vsub.s32 v18, v19  }
0x106: {  	vm11 =	vlt.u32 v18, $0x28;
	v18 =	vshll.u32 v18, $0x7  }
0x107: {  	v18 =	vor.u32 v5, v18;
	_ =	sdelay $0x4  }
0x108: {  	[tilespmem:v18+s1+$0x0] =	vst.idx.msk vm11, v0  }
0x109: {  	v18 =	vld [tilespmem:s6+$0x40];
	_ =	sdelay $0x4  }
0x10a: {  	v18 =	vsub.s32 v18, v19  }
0x10b: {  	vm12 =	vlt.u32 v18, $0x28;
	v18 =	vshll.u32 v18, $0x7  }
0x10c: {  	v18 =	vor.u32 v6, v18;
	_ =	sdelay $0x4  }
0x10d: {  	[tilespmem:v18+s1+$0x0] =	vst.idx.msk vm12, v0  }
0x10e: {  	v18 =	vld [tilespmem:s6+$0x50];
	_ =	sdelay $0x4  }
0x10f: {  	v18 =	vsub.s32 v18, v19  }
0x110: {  	vm13 =	vlt.u32 v18, $0x28;
	v18 =	vshll.u32 v18, $0x7  }
0x111: {  	v18 =	vor.u32 v7, v18;
	_ =	sdelay $0x4  }
0x112: {  	[tilespmem:v18+s1+$0x0] =	vst.idx.msk vm13, v0  }
0x113: {  	v18 =	vld [tilespmem:s6+$0x60];
	_ =	sdelay $0x4  }
0x114: {  	v18 =	vsub.s32 v18, v19  }
0x115: {  	vm14 =	vlt.u32 v18, $0x28;
	v18 =	vshll.u32 v18, $0x7  }
0x116: {  	v18 =	vor.u32 v8, v18;
	_ =	sdelay $0x4  }
0x117: {  	[tilespmem:v18+s1+$0x0] =	vst.idx.msk vm14, v0  }
0x118: {  	v18 =	vld [tilespmem:s6+$0x70];
	_ =	sdelay $0x1  }
0x119: {  	s6 =	sand.u32 $0xFFFE, s4  }
0x11a: {  	s5 =	smul.u32 $0x47AF, s6;
	_ =	sdelay $0x1  }
0x11b: {  	s5 =	sshrl.u32 s5, $0x10;
	v18 =	vsub.s32 v18, v19  }
0x11c: {  	s7 =	ssub.s32 s4, s5;
	vm15 =	vlt.u32 v18, $0x28;
	v18 =	vshll.u32 v18, $0x7  }
0x11d: {  	s6 =	sand.u32 $0xFFFE, s7;
	v18 =	vor.u32 v9, v18  }
0x11e: {  	s6 =	sshrl.u32 s6, $0x1  }
0x11f: {  	s5 =	sadd.s32 s5, s6  }
0x120: {  	s5 =	sshrl.u32 s5, $0x4  }
0x121: {  	s8 =	smul.u32 $0x19, s5  }
0x122: {  	s7 =	sshll.u32 s5, $0x7;
	[tilespmem:v18+s1+$0x0] =	vst.idx.msk vm15, v0  }
0x123: {  	s6 =	ssub.s32 s4, s8;
	v18 =	vld [tilespmem:s7+$0x0]  }
0x124: {  	s6 =	sand.u32 $0xFFFF, s6  }
0x125: {  	s8 =	smul.u32 $0x28, s6;
	_ =	sdelay $0x1  }
0x126: {  	v19 =	vmov s8  }
0x127: {  	v18 =	vsub.s32 v18, v19  }
0x128: {  	vm4 =	vlt.u32 v18, $0x28;
	v18 =	vshll.u32 v18, $0x7  }
0x129: {  	v18 =	vor.u32 v1, v18;
	_ =	sdelay $0x4  }
0x12a: {  	[tilespmem:v18+s1+$0x0] =	vst.idx.msk vm4, v2  }
0x12b: {  	v18 =	vld [tilespmem:s7+$0x10];
	_ =	sdelay $0x4  }
0x12c: {  	v18 =	vsub.s32 v18, v19  }
0x12d: {  	vm5 =	vlt.u32 v18, $0x28;
	v18 =	vshll.u32 v18, $0x7  }
0x12e: {  	v18 =	vor.u32 v3, v18;
	_ =	sdelay $0x4  }
0x12f: {  	[tilespmem:v18+s1+$0x0] =	vst.idx.msk vm5, v2  }
0x130: {  	v18 =	vld [tilespmem:s7+$0x20];
	_ =	sdelay $0x4  }
0x131: {  	v18 =	vsub.s32 v18, v19  }
0x132: {  	vm6 =	vlt.u32 v18, $0x28;
	v18 =	vshll.u32 v18, $0x7  }
0x133: {  	v18 =	vor.u32 v4, v18;
	_ =	sdelay $0x4  }
0x134: {  	[tilespmem:v18+s1+$0x0] =	vst.idx.msk vm6, v2  }
0x135: {  	v18 =	vld [tilespmem:s7+$0x30];
	_ =	sdelay $0x4  }
0x136: {  	v18 =	vsub.s32 v18, v19  }
0x137: {  	vm7 =	vlt.u32 v18, $0x28;
	v18 =	vshll.u32 v18, $0x7  }
0x138: {  	v18 =	vor.u32 v5, v18;
	_ =	sdelay $0x4  }
0x139: {  	[tilespmem:v18+s1+$0x0] =	vst.idx.msk vm7, v2  }
0x13a: {  	v18 =	vld [tilespmem:s7+$0x40];
	_ =	sdelay $0x4  }
0x13b: {  	v18 =	vsub.s32 v18, v19  }
0x13c: {  	vm8 =	vlt.u32 v18, $0x28;
	v18 =	vshll.u32 v18, $0x7  }
0x13d: {  	v18 =	vor.u32 v6, v18;
	_ =	sdelay $0x4  }
0x13e: {  	[tilespmem:v18+s1+$0x0] =	vst.idx.msk vm8, v2  }
0x13f: {  	v18 =	vld [tilespmem:s7+$0x50];
	_ =	sdelay $0x4  }
0x140: {  	v18 =	vsub.s32 v18, v19  }
0x141: {  	vm9 =	vlt.u32 v18, $0x28;
	v18 =	vshll.u32 v18, $0x7  }
0x142: {  	v18 =	vor.u32 v7, v18;
	_ =	sdelay $0x4  }
0x143: {  	[tilespmem:v18+s1+$0x0] =	vst.idx.msk vm9, v2  }
0x144: {  	v18 =	vld [tilespmem:s7+$0x60];
	_ =	sdelay $0x4  }
0x145: {  	v18 =	vsub.s32 v18, v19  }
0x146: {  	vm10 =	vlt.u32 v18, $0x28;
	v18 =	vshll.u32 v18, $0x7  }
0x147: {  	v18 =	vor.u32 v8, v18;
	_ =	sdelay $0x4  }
0x148: {  	[tilespmem:v18+s1+$0x0] =	vst.idx.msk vm10, v2  }
0x149: {  	v18 =	vld [tilespmem:s7+$0x70];
	_ =	sdelay $0x4  }
0x14a: {  	s4 =	sadd.s32 $0xFFFFFFFF, s4;
	v18 =	vsub.s32 v18, v19  }
0x14b: {  	s5 =	smul.u32 $0x3E8000, s5;
	s8 =	sshll.u32 s4, $0x10;
	vm11 =	vlt.u32 v18, $0x28;
	v18 =	vshll.u32 v18, $0x7  }
0x14c: {  	s6 =	smul.u32 $0x28000, s6;
	s7 =	sshra.s32 s8, $0x10;
	v18 =	vor.u32 v9, v18  }
0x14d: {  	s7 =	smul.u32 $0x147B, s7;
	_ =	sdelay $0x1  }
0x14e: {  	s5 =	sadd.s32 s6, s5;
	s8 =	sshrl.u32 s7, $0x1F;
	s7 =	sshra.s32 s7, $0x11  }
0x14f: {  	s5 =	sshrl.u32 s5, $0x3;
	s6 =	sadd.s32 s8, s7  }
0x150: {  	s5 =	sadd.s32 s5, s23;
	s7 =	smul.u32 $0xFFFFFFE7, s6;
	[tilespmem:v18+s1+$0x0] =	vst.idx.msk vm11, v2  }
0x151: {  	[hbm4b:s5+s26] =	stream.strided.scatter [tilespmem:s1], [sflag:$0x1], $0x1400, s28, s26, $0x38;
	[tilespmem:$0x3200] =	vst v63  }
0x152: {  	s4 =	sadd.s32 s4, s7;
	_ =	swait.ge [sflag:s31], $0x1400  }
0x153: {  	s8 =	sshll.u32 s6, $0x7;
	s4 =	sshll.u32 s4, $0x10;
	[sflag:s31] =	ssyncset.done $0x0  }
0x154: {  	s4 =	sshra.s32 s4, $0x10;
	s5 =	sand.u32 $0x3FFFFF80, s8;
	[sflag:s31] =	ssyncadd.s32 $0xFFFFEC00  }
0x155: {  	p0 =	slt.s32 s4, $0x0;
	s6 =	sadd.s32 $0x19, s4;
	v18 =	vld [tilespmem:s5+$0x0]  }
0x156: {  	s4 =	smov.u32 @p0 s6  }
0x157: {  	s4 =	smul.u32 $0x28, s4;
	_ =	sdelay $0x1  }
0x158: {  	v19 =	vmov s4  }
0x159: {  	v18 =	vsub.s32 v18, v19  }
0x15a: {  	vm12 =	vlt.u32 v18, $0x28;
	v18 =	vshll.u32 v18, $0x7  }
0x15b: {  	v18 =	vor.u32 v1, v18;
	_ =	sdelay $0x4  }
0x15c: {  	[tilespmem:v18+s29+$0x0] =	vst.idx.msk vm12, v0  }
0x15d: {  	v18 =	vld [tilespmem:s5+$0x10];
	_ =	sdelay $0x4  }
0x15e: {  	v18 =	vsub.s32 v18, v19  }
0x15f: {  	vm13 =	vlt.u32 v18, $0x28;
	v18 =	vshll.u32 v18, $0x7  }
0x160: {  	v18 =	vor.u32 v3, v18;
	_ =	sdelay $0x4  }
0x161: {  	[tilespmem:v18+s29+$0x0] =	vst.idx.msk vm13, v0  }
0x162: {  	v18 =	vld [tilespmem:s5+$0x20];
	_ =	sdelay $0x4  }
0x163: {  	v18 =	vsub.s32 v18, v19  }
0x164: {  	vm14 =	vlt.u32 v18, $0x28;
	v18 =	vshll.u32 v18, $0x7  }
0x165: {  	v18 =	vor.u32 v4, v18;
	_ =	sdelay $0x4  }
0x166: {  	[tilespmem:v18+s29+$0x0] =	vst.idx.msk vm14, v0  }
0x167: {  	v18 =	vld [tilespmem:s5+$0x30];
	_ =	sdelay $0x4  }
0x168: {  	v18 =	vsub.s32 v18, v19  }
0x169: {  	vm15 =	vlt.u32 v18, $0x28;
	v18 =	vshll.u32 v18, $0x7  }
0x16a: {  	v18 =	vor.u32 v5, v18;
	_ =	sdelay $0x4  }
0x16b: {  	[tilespmem:v18+s29+$0x0] =	vst.idx.msk vm15, v0  }
0x16c: {  	v18 =	vld [tilespmem:s5+$0x40];
	_ =	sdelay $0x4  }
0x16d: {  	v18 =	vsub.s32 v18, v19  }
0x16e: {  	vm4 =	vlt.u32 v18, $0x28;
	v18 =	vshll.u32 v18, $0x7  }
0x16f: {  	v18 =	vor.u32 v6, v18;
	_ =	sdelay $0x4  }
0x170: {  	[tilespmem:v18+s29+$0x0] =	vst.idx.msk vm4, v0  }
0x171: {  	v18 =	vld [tilespmem:s5+$0x50];
	_ =	sdelay $0x4  }
0x172: {  	v18 =	vsub.s32 v18, v19  }
0x173: {  	vm5 =	vlt.u32 v18, $0x28;
	v18 =	vshll.u32 v18, $0x7  }
0x174: {  	v18 =	vor.u32 v7, v18;
	_ =	sdelay $0x4  }
0x175: {  	[tilespmem:v18+s29+$0x0] =	vst.idx.msk vm5, v0  }
0x176: {  	v18 =	vld [tilespmem:s5+$0x60];
	_ =	sdelay $0x4  }
0x177: {  	v18 =	vsub.s32 v18, v19  }
0x178: {  	vm6 =	vlt.u32 v18, $0x28;
	v18 =	vshll.u32 v18, $0x7  }
0x179: {  	v18 =	vor.u32 v8, v18;
	_ =	sdelay $0x4  }
0x17a: {  	[tilespmem:v18+s29+$0x0] =	vst.idx.msk vm6, v0  }
0x17b: {  	v18 =	vld [tilespmem:s5+$0x70]  }
0x17c: {  	s4 =	sshllo.u32 s3, $0x1  }
0x17d: {  	s6 =	sand.u32 $0xFFFF, s4  }
0x17e: {  	s5 =	smul.u32 $0x47AF, s6;
	_ =	sdelay $0x1  }
0x17f: {  	s5 =	sshrl.u32 s5, $0x10;
	v18 =	vsub.s32 v18, v19  }
0x180: {  	s7 =	ssub.s32 s4, s5;
	vm7 =	vlt.u32 v18, $0x28;
	v18 =	vshll.u32 v18, $0x7  }
0x181: {  	s6 =	sand.u32 $0xFFFE, s7;
	v18 =	vor.u32 v9, v18  }
0x182: {  	s6 =	sshrl.u32 s6, $0x1  }
0x183: {  	s5 =	sadd.s32 s5, s6  }
0x184: {  	s5 =	sshrl.u32 s5, $0x4  }
0x185: {  	s8 =	smul.u32 $0x19, s5  }
0x186: {  	s7 =	sshll.u32 s5, $0x7;
	[tilespmem:v18+s29+$0x0] =	vst.idx.msk vm7, v0  }
0x187: {  	s4 =	ssub.s32 s4, s8;
	v18 =	vld [tilespmem:s7+$0x0]  }
0x188: {  	s4 =	sand.u32 $0xFFFF, s4  }
0x189: {  	s8 =	smul.u32 $0x28, s4;
	_ =	sdelay $0x1  }
0x18a: {  	v19 =	vmov s8  }
0x18b: {  	v18 =	vsub.s32 v18, v19  }
0x18c: {  	vm8 =	vlt.u32 v18, $0x28;
	v18 =	vshll.u32 v18, $0x7  }
0x18d: {  	v18 =	vor.u32 v1, v18;
	_ =	sdelay $0x4  }
0x18e: {  	[tilespmem:v18+s29+$0x0] =	vst.idx.msk vm8, v2  }
0x18f: {  	v18 =	vld [tilespmem:s7+$0x10];
	_ =	sdelay $0x4  }
0x190: {  	v18 =	vsub.s32 v18, v19  }
0x191: {  	vm9 =	vlt.u32 v18, $0x28;
	v18 =	vshll.u32 v18, $0x7  }
0x192: {  	v18 =	vor.u32 v3, v18;
	_ =	sdelay $0x4  }
0x193: {  	[tilespmem:v18+s29+$0x0] =	vst.idx.msk vm9, v2  }
0x194: {  	v18 =	vld [tilespmem:s7+$0x20];
	_ =	sdelay $0x4  }
0x195: {  	v18 =	vsub.s32 v18, v19  }
0x196: {  	vm10 =	vlt.u32 v18, $0x28;
	v18 =	vshll.u32 v18, $0x7  }
0x197: {  	v18 =	vor.u32 v4, v18;
	_ =	sdelay $0x4  }
0x198: {  	[tilespmem:v18+s29+$0x0] =	vst.idx.msk vm10, v2  }
0x199: {  	v18 =	vld [tilespmem:s7+$0x30];
	_ =	sdelay $0x4  }
0x19a: {  	v18 =	vsub.s32 v18, v19  }
0x19b: {  	vm11 =	vlt.u32 v18, $0x28;
	v18 =	vshll.u32 v18, $0x7  }
0x19c: {  	v18 =	vor.u32 v5, v18;
	_ =	sdelay $0x4  }
0x19d: {  	[tilespmem:v18+s29+$0x0] =	vst.idx.msk vm11, v2  }
0x19e: {  	v18 =	vld [tilespmem:s7+$0x40];
	_ =	sdelay $0x4  }
0x19f: {  	v18 =	vsub.s32 v18, v19  }
0x1a0: {  	vm12 =	vlt.u32 v18, $0x28;
	v18 =	vshll.u32 v18, $0x7  }
0x1a1: {  	v18 =	vor.u32 v6, v18;
	_ =	sdelay $0x4  }
0x1a2: {  	[tilespmem:v18+s29+$0x0] =	vst.idx.msk vm12, v2  }
0x1a3: {  	v18 =	vld [tilespmem:s7+$0x50];
	_ =	sdelay $0x4  }
0x1a4: {  	v18 =	vsub.s32 v18, v19  }
0x1a5: {  	vm13 =	vlt.u32 v18, $0x28;
	v18 =	vshll.u32 v18, $0x7  }
0x1a6: {  	v18 =	vor.u32 v7, v18;
	_ =	sdelay $0x4  }
0x1a7: {  	[tilespmem:v18+s29+$0x0] =	vst.idx.msk vm13, v2  }
0x1a8: {  	v18 =	vld [tilespmem:s7+$0x60];
	_ =	sdelay $0x4  }
0x1a9: {  	v18 =	vsub.s32 v18, v19  }
0x1aa: {  	vm14 =	vlt.u32 v18, $0x28;
	v18 =	vshll.u32 v18, $0x7  }
0x1ab: {  	v18 =	vor.u32 v8, v18;
	_ =	sdelay $0x4  }
0x1ac: {  	[tilespmem:v18+s29+$0x0] =	vst.idx.msk vm14, v2  }
0x1ad: {  	v18 =	vld [tilespmem:s7+$0x70];
	_ =	sdelay $0x4  }
0x1ae: {  	v18 =	vsub.s32 v18, v19  }
0x1af: {  	vm15 =	vlt.u32 v18, $0x28;
	v18 =	vshll.u32 v18, $0x7  }
0x1b0: {  	s5 =	smul.u32 $0x3E8000, s5;
	v18 =	vor.u32 v9, v18  }
0x1b1: {  	p0 =	sne.s32 s3, $0xF9;
	s4 =	smul.u32 $0x28000, s4  }
.Ltmp1:
0x1b2: {  	_ = 	snop;
	(pc) =	sbr.rel @p0 .LBB2_4-.Ltmp1, $4  }
0x1b3: {  	s4 =	sadd.s32 s4, s5  }
0x1b4: {  	s4 =	sshrl.u32 s4, $0x3  }
0x1b5: {  	s3 =	sadd.s32 $0x1, s3;
	s4 =	sadd.s32 s4, s23;
	[tilespmem:v18+s29+$0x0] =	vst.idx.msk vm15, v2  }
0x1b6: {  	[hbm4b:s4+s26] =	stream.strided.scatter [tilespmem:s29], [sflag:$0x2], $0x1400, s28, s26, $0x38;
	[tilespmem:$0x3200] =	vst v63  }
0x1b7: {  	s0 =	sadd.s32 $0x1, s0  }
0x1b8: {  	_ =	swait.ge [sflag:s30], $0x1400;
	p0 =	sne.s32 s0, s25  }
.Ltmp2:
0x1b9: {  	[sflag:s30] =	ssyncset.done $0x0;
	(pc) =	sbr.rel @p0 .LBB2_1-.Ltmp2, $4  }
0x1ba: {  	[sflag:s30] =	ssyncadd.s32 $0xFFFFEC00  }
0x1bb: {  	_ =	swait.ge [sflag:s31], $0x1400  }
0x1bc: {  	[sflag:s31] =	ssyncset.done $0x0  }
0x1bd: {  	[sflag:s31] =	ssyncadd.s32 $0xFFFFEC00  }
0x1be: {  	_ =	sfence.sel $0x180000  }
0x1bf: {  	[bflag:$0x0] =	sbarrier.arrive $0xFFFF  }
0x1c0: {  	_ =	strace $0x90000047  }
0x1c1: {  	s0 =	stileid.u32;
	[bflag:$0x2] =	sbarrier.arrive $0xFFFF  }
0x1c2: {  	p0 =	sne.s32 s0, $0x0;
	s0 =	rddreg [dreg:$0x2]  }
0x1c3: {  	s0 =	sadd.s32 @!p0 $0x100000, s0  }
0x1c4: {  	[sflag:s0] =	ssyncadd.tile.s32 @!p0 $0x1;
	_ =	shalt  }
.Lfunc_end2:
_tile_overlayer_lowered:
.L_overlay_start_2:
0x1c5: {  	(tag) =	ssettag $0x2  }
0x1c6: {  	s0 =	rddreg [dreg:$0x0];
	s2 =	stileid.u32  }
0x1c7: {  	s1 =	rddreg [dreg:$0x1];
	p0 =	sne.s32 s2, $0x0  }
0x1c8: {  	s3 =	rddreg [dreg:$0x2];
	[bflag:$0x3] =	sbarrier.arrive $0xFFFF;
	s2 =	simm.s32 @!p0 $0x1C03  }
0x1c9: {  	[timem:s3], [sflag:s2] =	dma.local @!p0 [hbm:s0], s1  }
0x1ca: {  	s0 =	simm.s32 @!p0 $0x3  }
0x1cb: {  	_ =	swait.ge @!p0 [sflag:s0], s1  }
0x1cc: {  	s1 =	ssub.s32 @!p0 $0x0, s1;
	[sflag:s0] =	ssyncset.done @!p0 $0x0  }
0x1cd: {  	[sflag:s0] =	ssyncadd.s32 @!p0 s1  }
0x1ce: {  	[bflag:$0x3] =	sbarrier.arrive $0xFFFF  }
0x1cf: {  	_ =	shalt  }

</sc_bundles>
